<compile_context>
chip_gen: v7x
topology: tpu7x:2x2x1
jax: 0.10.2.dev20260603
libtpu: 0.0.44.dev20260713+nightly
codegen_flags: <defaults>
</compile_context>

<pallas_src>
import functools

import jax
import jax.numpy as jnp
from jax import lax
from jax.experimental import pallas as pl
from jax.experimental.pallas import tpu as pltpu
from jax.experimental.pallas import tpu_sc as plsc

B_, K_, N_, C_ = 2, 8, 56564, 64
NC, NS = 2, 16
NW = NC * NS
GROUP = 128
S_ = 16384
GSC = S_ // GROUP
ITERS = GSC // NW
RSTR = 65
KROWS = (K_ + 1) * 16
NB = 8192
NTC = N_ - S_
NTB = (NTC + NB - 1) // NB


def _issue(pw_hbm, x_hbm, g, pwbuf, xb0, xb1, sem):
    n0 = pl.multiple_of(g * GROUP, GROUP)
    pltpu.async_copy(pw_hbm.at[:, pl.ds(n0, GROUP)], pwbuf, sem)
    pltpu.async_copy(x_hbm.at[0, :, pl.ds(n0, GROUP)], xb0, sem)
    pltpu.async_copy(x_hbm.at[1, :, pl.ds(n0, GROUP)], xb1, sem)


def _wait(pw_hbm, x_hbm, pwbuf, xb0, xb1, sem):
    pltpu.make_async_copy(pw_hbm.at[:, pl.ds(0, GROUP)], pwbuf, sem).wait()
    pltpu.make_async_copy(x_hbm.at[0, :, pl.ds(0, GROUP)], xb0, sem).wait()
    pltpu.make_async_copy(x_hbm.at[1, :, pl.ds(0, GROUP)], xb1, sem).wait()


def _sc_body(pw_hbm, x_hbm, out_hbm,
             pwbuf0, xb00, xb10, pwbuf1, xb01, xb11,
             acw0, acw1, acf, sem0, sem1):
    cid = lax.axis_index("c")
    sid = lax.axis_index("s")
    wid = sid * NC + cid

    bufs = ((pwbuf0, xb00, xb10, sem0), (pwbuf1, xb01, xb11, sem1))

    zero16 = jnp.zeros((16,), jnp.float32)
    iota16 = lax.iota(jnp.int32, 16)
    iota_r = iota16 * RSTR

    def zero_blk(r, carry):
        for c4 in range(4):
            acw0[pl.ds(r * RSTR + c4 * 16, 16)] = zero16
            acw1[pl.ds(r * RSTR + c4 * 16, 16)] = zero16
        return carry

    lax.fori_loop(0, KROWS, zero_blk, 0)

    def compute(pwbuf, xb0, xb1):
        def sub_body(j, sc):
            j16 = j * 16
            vs = [pwbuf[k, pl.ds(j16, 16)] for k in range(K_)]
            m01 = jnp.maximum(vs[0], vs[1])
            m23 = jnp.maximum(vs[2], vs[3])
            m45 = jnp.maximum(vs[4], vs[5])
            m67 = jnp.maximum(vs[6], vs[7])
            m = jnp.maximum(jnp.maximum(m01, m23), jnp.maximum(m45, m67))
            ks = jnp.full((16,), K_ - 1, jnp.int32)
            for k in range(K_ - 2, -1, -1):
                ks = jnp.where(vs[k] == m, k, ks)
            addr = ks * (16 * RSTR) + iota_r
            ps = pl.ds(j16, 16)

            @plsc.parallel_loop(0, C_, unroll=4)
            def cloop(c):
                a = addr + c
                v0 = xb0[c, ps]
                v1 = xb1[c, ps]
                plsc.addupdate_scatter(acw0, [a], v0)
                plsc.addupdate_scatter(acw1, [a], v1)

            return sc

        lax.fori_loop(0, K_, sub_body, 0)

    _issue(pw_hbm, x_hbm, wid, *bufs[0])

    def outer(io, carry):
        for par in range(2):
            i = 2 * io + par
            g = i * NW + wid
            pwbuf, xb0, xb1, sem = bufs[par]
            _wait(pw_hbm, x_hbm, pwbuf, xb0, xb1, sem)
            gn = (i + 1) * NW + wid

            @pl.when(gn < GSC)
            def _():
                _issue(pw_hbm, x_hbm, gn, *bufs[1 - par])

            compute(pwbuf, xb0, xb1)
        return carry

    lax.fori_loop(0, ITERS // 2, outer, 0)

    def red_kc(kc, carry):
        k = kc // 4
        co = (kc % 4) * 16
        base = k * (16 * RSTR) + co
        t0 = [acw0[pl.ds(base + l * RSTR, 16)] for l in range(16)]
        t1 = [acw1[pl.ds(base + l * RSTR, 16)] for l in range(16)]
        s0, s1 = t0[0], t1[0]
        for l in range(1, 16):
            s0 = s0 + t0[l]
            s1 = s1 + t1[l]
        acf[k, pl.ds(co, 16)] = s0
        acf[K_ + k, pl.ds(co, 16)] = s1
        return carry

    lax.fori_loop(0, K_ * 4, red_kc, 0)

    pltpu.sync_copy(acf, out_hbm.at[pl.ds(wid * 2 * K_, 2 * K_)])


@functools.partial(
    pl.kernel,
    out_type=jax.ShapeDtypeStruct((NW * 2 * K_, C_), jnp.float32),
    mesh=plsc.VectorSubcoreMesh(core_axis_name="c", subcore_axis_name="s"),
    compiler_params=pltpu.CompilerParams(
        needs_layout_passes=False, skip_device_barrier=True),
    scratch_types=[
        pltpu.VMEM((K_, GROUP), jnp.float32),
        pltpu.VMEM((C_, GROUP), jnp.float32),
        pltpu.VMEM((C_, GROUP), jnp.float32),
        pltpu.VMEM((K_, GROUP), jnp.float32),
        pltpu.VMEM((C_, GROUP), jnp.float32),
        pltpu.VMEM((C_, GROUP), jnp.float32),
        pltpu.VMEM((KROWS * RSTR,), jnp.float32),
        pltpu.VMEM((KROWS * RSTR,), jnp.float32),
        pltpu.VMEM((2 * K_, C_), jnp.float32),
        pltpu.SemaphoreType.DMA,
        pltpu.SemaphoreType.DMA,
    ],
)
def _selection_sc(*args):
    _sc_body(*args)


def _tc_body(pw_ref, x_ref, o_ref):
    i = pl.program_id(0)
    pwb = pw_ref[...]
    m = jnp.max(pwb, axis=0, keepdims=True)
    kidx = lax.broadcasted_iota(jnp.int32, (K_, NB), 0)
    first = jnp.min(jnp.where(pwb == m, kidx, K_), axis=0, keepdims=True)
    gcol = i * NB + lax.broadcasted_iota(jnp.int32, (1, NB), 1)
    oh = jnp.where((kidx == first) & (gcol < NTC), 1.0, 0.0).astype(jnp.float32)
    dn = (((1,), (1,)), ((), ()))
    xc = x_ref[...].reshape(B_ * C_, NB)
    p = lax.dot_general(oh, xc, dn, preferred_element_type=jnp.float32)
    p = p.reshape(K_, B_, C_).swapaxes(0, 1)

    @pl.when(i == 0)
    def _():
        o_ref[...] = p

    @pl.when(i > 0)
    def _():
        o_ref[...] += p


_selection_tc = pl.pallas_call(
    _tc_body,
    grid=(NTB,),
    in_specs=[
        pl.BlockSpec((K_, NB), lambda i: (0, i)),
        pl.BlockSpec((B_, C_, NB), lambda i: (0, 0, S_ // NB + i)),
    ],
    out_specs=pl.BlockSpec((B_, K_, C_), lambda i: (0, 0, 0)),
    out_shape=jax.ShapeDtypeStruct((B_, K_, C_), jnp.float32),
)


def kernel(x, point_weight, tau):
    del tau
    pw_sc = lax.slice(point_weight, (0, 0, 0, 0),
                      (1, K_, S_, 1)).reshape(K_, S_)
    pw_tc = lax.slice(point_weight, (0, 0, S_, 0),
                      (1, K_, N_, 1)).reshape(K_, N_ - S_)
    xt = x.transpose(0, 2, 1)
    partial = _selection_sc(pw_sc, xt)
    tc_out = _selection_tc(pw_tc, xt)
    allp = jnp.concatenate(
        [partial.reshape(NW, B_, K_, C_), tc_out[None]], axis=0)
    return allp.sum(axis=0)

# --- scband reference (transcript-rebuilt; emitter-appended) ---
"""Pipeline reference for scband-selection-62878321214039 (READ-ONLY COPY).

The authoritative reference and input builder live on the scoring server;
editing this copy changes nothing except your own understanding.
"""

import jax, jax.numpy as jnp
import numpy as np

B, K, N, C = 2, 8, 56564, 64


def hard_softmax(logits, axis):
    # Straight-through hard softmax: value is argmax one-hot, gradient is softmax's.
    y_soft = jax.nn.softmax(logits, axis=axis)
    index = jnp.argmax(y_soft, axis=axis)
    y_hard = jax.nn.one_hot(index, logits.shape[axis], axis=axis, dtype=logits.dtype)
    return jax.lax.stop_gradient(y_hard - y_soft) + y_soft


def setup_inputs(seed: int = 0) -> dict:
    key = jax.random.key(seed)
    k1, k2 = jax.random.split(key)
    x = jax.random.normal(k1, (B, N, C), dtype=jnp.float32)
    point_weight = jax.random.normal(k2, (1, K, N, 1), dtype=jnp.float32)
    tau = jnp.asarray(1.0, dtype=jnp.float32)
    return {"x": x, "point_weight": point_weight, "tau": tau}


def reference(x, point_weight, tau=1.0):
    Bx = x.shape[0]
    # torch.repeat_interleave(point_weight, B, 0) with leading dim 1 == tile along batch
    pw = jnp.broadcast_to(point_weight, (Bx,) + point_weight.shape[1:])  # [B, K, N, 1]
    one_hot = hard_softmax(pw / tau, axis=1)  # [B, K, N, 1]
    # sum over N of x[b,1,n,c] * one_hot[b,k,n,1] == einsum contraction (same math)
    out = jnp.einsum('bkn,bnc->bkc', one_hot[..., 0], x)  # [B, K, C]
    return out

if __name__ == "__main__":
    import jax
    _d = setup_inputs()
    print(jax.jit(kernel)(*tuple(_d.values())))

</pallas_src>

<mosaic_0001>
#map = affine_map<(d0, d1) -> (0, 0)>
#map1 = affine_map<(d0, d1) -> (0, 0, 0)>
module attributes {stable_mosaic.version = 14 : i64} {
  func.func @_selection_sc(%arg0: i32, %arg1: i32, %arg2: memref<8x16384xf32, #tpu.memory_space<hbm>>, %arg3: memref<2x64x56564xf32, #tpu.memory_space<hbm>>, %arg4: memref<512x64xf32, #tpu.memory_space<hbm>>, %arg5: memref<8x128xf32, #tpu.memory_space<vmem>>, %arg6: memref<64x128xf32, #tpu.memory_space<vmem>>, %arg7: memref<64x128xf32, #tpu.memory_space<vmem>>, %arg8: memref<8x128xf32, #tpu.memory_space<vmem>>, %arg9: memref<64x128xf32, #tpu.memory_space<vmem>>, %arg10: memref<64x128xf32, #tpu.memory_space<vmem>>, %arg11: memref<9360xf32, #tpu.memory_space<vmem>>, %arg12: memref<9360xf32, #tpu.memory_space<vmem>>, %arg13: memref<16x64xf32, #tpu.memory_space<vmem>>, %arg14: memref<!tpu.dma_semaphore, #tpu.memory_space<semaphore_mem>>, %arg15: memref<!tpu.dma_semaphore, #tpu.memory_space<semaphore_mem>>) attributes {dimension_semantics = [#tpu.dimension_semantics<core_parallel>, #tpu.dimension_semantics<subcore_parallel>], iteration_bounds = array<i64: 2, 16>, scalar_prefetch = 0 : i64, scratch_operands = 11 : i64, tpu.core_type = #tpu.core_type<sc_vector_subcore>, window_params = [{transform_indices = #map}, {transform_indices = #map1}, {transform_indices = #map}]} {
    %mul3A = arith.constant 2 : i32
    %mul3A_0 = arith.muli %arg1, %mul3A : i32
    %add3A = arith.addi %mul3A_0, %arg0 : i32
    %broadcast_in_dim3A = arith.constant 0.000000e+00 : f32
    %broadcast_in_dim3A_1 = vector.broadcast %broadcast_in_dim3A : f32 to vector<16xf32>
    %iota3A = tpu.iota {dimensions = array<i32: 0>} : vector<16xi32>
    %mul3A_2 = arith.constant 65 : i32
    %mul3A_3 = vector.broadcast %mul3A_2 : i32 to vector<16xi32>
    %mul3A_4 = arith.muli %iota3A, %mul3A_3 : vector<16xi32>
    %scan3A = arith.constant 0 : i32
    %scan3A_5 = arith.constant 0 : i32
    %scan3A_6 = arith.constant 144 : i32
    %scan3A_7 = arith.addi %scan3A_5, %scan3A_6 : i32
    %scan3A_8 = arith.constant 1 : i32
    scf.for %scan3A_45 = %scan3A_5 to %scan3A_7 step %scan3A_8  : i32 {
      %mul3A_46 = arith.constant 65 : i32
      %mul3A_47 = arith.muli %scan3A_45, %mul3A_46 : i32
      %add3A_48 = arith.constant 0 : i32
      %add3A_49 = arith.addi %mul3A_47, %add3A_48 : i32
      %swap3A = arith.index_cast %add3A_49 : i32 to index
      %swap3A_50 = tpu.vector_load %arg11[%swap3A] {strides = array<i32>} : memref<9360xf32, #tpu.memory_space<vmem>>, vector<16xf32>,
      tpu.vector_store %arg11[%swap3A], %broadcast_in_dim3A_1 {strides = array<i32>} : memref<9360xf32, #tpu.memory_space<vmem>>, vector<16xf32>,
      %mul3A_51 = arith.constant 65 : i32
      %mul3A_52 = arith.muli %scan3A_45, %mul3A_51 : i32
      %add3A_53 = arith.constant 0 : i32
      %add3A_54 = arith.addi %mul3A_52, %add3A_53 : i32
      %swap3A_55 = arith.index_cast %add3A_54 : i32 to index
      %swap3A_56 = tpu.vector_load %arg12[%swap3A_55] {strides = array<i32>} : memref<9360xf32, #tpu.memory_space<vmem>>, vector<16xf32>,
      tpu.vector_store %arg12[%swap3A_55], %broadcast_in_dim3A_1 {strides = array<i32>} : memref<9360xf32, #tpu.memory_space<vmem>>, vector<16xf32>,
      %mul3A_57 = arith.constant 65 : i32
      %mul3A_58 = arith.muli %scan3A_45, %mul3A_57 : i32
      %add3A_59 = arith.constant 16 : i32
      %add3A_60 = arith.addi %mul3A_58, %add3A_59 : i32
      %swap3A_61 = arith.index_cast %add3A_60 : i32 to index
      %swap3A_62 = tpu.vector_load %arg11[%swap3A_61] {strides = array<i32>} : memref<9360xf32, #tpu.memory_space<vmem>>, vector<16xf32>,
      tpu.vector_store %arg11[%swap3A_61], %broadcast_in_dim3A_1 {strides = array<i32>} : memref<9360xf32, #tpu.memory_space<vmem>>, vector<16xf32>,
      %mul3A_63 = arith.constant 65 : i32
      %mul3A_64 = arith.muli %scan3A_45, %mul3A_63 : i32
      %add3A_65 = arith.constant 16 : i32
      %add3A_66 = arith.addi %mul3A_64, %add3A_65 : i32
      %swap3A_67 = arith.index_cast %add3A_66 : i32 to index
      %swap3A_68 = tpu.vector_load %arg12[%swap3A_67] {strides = array<i32>} : memref<9360xf32, #tpu.memory_space<vmem>>, vector<16xf32>,
      tpu.vector_store %arg12[%swap3A_67], %broadcast_in_dim3A_1 {strides = array<i32>} : memref<9360xf32, #tpu.memory_space<vmem>>, vector<16xf32>,
      %mul3A_69 = arith.constant 65 : i32
      %mul3A_70 = arith.muli %scan3A_45, %mul3A_69 : i32
      %add3A_71 = arith.constant 32 : i32
      %add3A_72 = arith.addi %mul3A_70, %add3A_71 : i32
      %swap3A_73 = arith.index_cast %add3A_72 : i32 to index
      %swap3A_74 = tpu.vector_load %arg11[%swap3A_73] {strides = array<i32>} : memref<9360xf32, #tpu.memory_space<vmem>>, vector<16xf32>,
      tpu.vector_store %arg11[%swap3A_73], %broadcast_in_dim3A_1 {strides = array<i32>} : memref<9360xf32, #tpu.memory_space<vmem>>, vector<16xf32>,
      %mul3A_75 = arith.constant 65 : i32
      %mul3A_76 = arith.muli %scan3A_45, %mul3A_75 : i32
      %add3A_77 = arith.constant 32 : i32
      %add3A_78 = arith.addi %mul3A_76, %add3A_77 : i32
      %swap3A_79 = arith.index_cast %add3A_78 : i32 to index
      %swap3A_80 = tpu.vector_load %arg12[%swap3A_79] {strides = array<i32>} : memref<9360xf32, #tpu.memory_space<vmem>>, vector<16xf32>,
      tpu.vector_store %arg12[%swap3A_79], %broadcast_in_dim3A_1 {strides = array<i32>} : memref<9360xf32, #tpu.memory_space<vmem>>, vector<16xf32>,
      %mul3A_81 = arith.constant 65 : i32
      %mul3A_82 = arith.muli %scan3A_45, %mul3A_81 : i32
      %add3A_83 = arith.constant 48 : i32
      %add3A_84 = arith.addi %mul3A_82, %add3A_83 : i32
      %swap3A_85 = arith.index_cast %add3A_84 : i32 to index
      %swap3A_86 = tpu.vector_load %arg11[%swap3A_85] {strides = array<i32>} : memref<9360xf32, #tpu.memory_space<vmem>>, vector<16xf32>,
      tpu.vector_store %arg11[%swap3A_85], %broadcast_in_dim3A_1 {strides = array<i32>} : memref<9360xf32, #tpu.memory_space<vmem>>, vector<16xf32>,
      %mul3A_87 = arith.constant 65 : i32
      %mul3A_88 = arith.muli %scan3A_45, %mul3A_87 : i32
      %add3A_89 = arith.constant 48 : i32
      %add3A_90 = arith.addi %mul3A_88, %add3A_89 : i32
      %swap3A_91 = arith.index_cast %add3A_90 : i32 to index
      %swap3A_92 = tpu.vector_load %arg12[%swap3A_91] {strides = array<i32>} : memref<9360xf32, #tpu.memory_space<vmem>>, vector<16xf32>,
      tpu.vector_store %arg12[%swap3A_91], %broadcast_in_dim3A_1 {strides = array<i32>} : memref<9360xf32, #tpu.memory_space<vmem>>, vector<16xf32>,
    }
    %scan3A_9 = arith.constant 144 : i32
    %mul3A_10 = arith.constant 128 : i32
    %mul3A_11 = arith.muli %add3A, %mul3A_10 : i32
    %multiple_of3A = tpu.assume_multiple %mul3A_11, 128 : i32
    %dma_start3A = arith.constant 0 : i32
    %dma_start3A_12 = tpu.memref_slice %arg2[%dma_start3A, %multiple_of3A] : memref<8x16384xf32, #tpu.memory_space<hbm>> -> memref<8x128xf32, #tpu.memory_space<hbm>>
    %dma_start3A_13 = arith.constant 0 : i32
    %dma_start3A_14 = tpu.memref_slice %arg2[%dma_start3A_13, %multiple_of3A] : memref<8x16384xf32, #tpu.memory_space<hbm>> -> memref<8x128xf32, #tpu.memory_space<hbm>>
    tpu.enqueue_dma source(%dma_start3A_14 : memref<8x128xf32, #tpu.memory_space<hbm>>) target(%arg5 : memref<8x128xf32, #tpu.memory_space<vmem>>) target_semaphore(%arg14 : memref<!tpu.dma_semaphore, #tpu.memory_space<semaphore_mem>>)
    %dma_start3A_15 = arith.constant 0 : i32
    %dma_start3A_16 = arith.constant 0 : i32
    %dma_start3A_17 = tpu.memref_slice %arg3[%dma_start3A_15, %dma_start3A_16, %multiple_of3A] : memref<2x64x56564xf32, #tpu.memory_space<hbm>> -> memref<1x64x128xf32, #tpu.memory_space<hbm>>
    %dma_start3A_18 = tpu.memref_squeeze %dma_start3A_17 : memref<1x64x128xf32, #tpu.memory_space<hbm>> -> memref<64x128xf32, #tpu.memory_space<hbm>>
    %dma_start3A_19 = arith.constant 0 : i32
    %dma_start3A_20 = tpu.memref_slice %arg3[%dma_start3A_15, %dma_start3A_19, %multiple_of3A] : memref<2x64x56564xf32, #tpu.memory_space<hbm>> -> memref<1x64x128xf32, #tpu.memory_space<hbm>>
    %dma_start3A_21 = tpu.memref_squeeze %dma_start3A_20 : memref<1x64x128xf32, #tpu.memory_space<hbm>> -> memref<64x128xf32, #tpu.memory_space<hbm>>
    tpu.enqueue_dma source(%dma_start3A_21 : memref<64x128xf32, #tpu.memory_space<hbm>>) target(%arg6 : memref<64x128xf32, #tpu.memory_space<vmem>>) target_semaphore(%arg14 : memref<!tpu.dma_semaphore, #tpu.memory_space<semaphore_mem>>)
    %dma_start3A_22 = arith.constant 1 : i32
    %dma_start3A_23 = arith.constant 0 : i32
    %dma_start3A_24 = tpu.memref_slice %arg3[%dma_start3A_22, %dma_start3A_23, %multiple_of3A] : memref<2x64x56564xf32, #tpu.memory_space<hbm>> -> memref<1x64x128xf32, #tpu.memory_space<hbm>>
    %dma_start3A_25 = tpu.memref_squeeze %dma_start3A_24 : memref<1x64x128xf32, #tpu.memory_space<hbm>> -> memref<64x128xf32, #tpu.memory_space<hbm>>
    %dma_start3A_26 = arith.constant 0 : i32
    %dma_start3A_27 = tpu.memref_slice %arg3[%dma_start3A_22, %dma_start3A_26, %multiple_of3A] : memref<2x64x56564xf32, #tpu.memory_space<hbm>> -> memref<1x64x128xf32, #tpu.memory_space<hbm>>
    %dma_start3A_28 = tpu.memref_squeeze %dma_start3A_27 : memref<1x64x128xf32, #tpu.memory_space<hbm>> -> memref<64x128xf32, #tpu.memory_space<hbm>>
    tpu.enqueue_dma source(%dma_start3A_28 : memref<64x128xf32, #tpu.memory_space<hbm>>) target(%arg7 : memref<64x128xf32, #tpu.memory_space<vmem>>) target_semaphore(%arg14 : memref<!tpu.dma_semaphore, #tpu.memory_space<semaphore_mem>>)
    %scan3A_29 = arith.constant 0 : i32
    %scan3A_30 = arith.constant 0 : i32
    %scan3A_31 = arith.constant 2 : i32
    %scan3A_32 = arith.addi %scan3A_30, %scan3A_31 : i32
    %scan3A_33 = arith.constant 1 : i32
    scf.for %scan3A_45 = %scan3A_30 to %scan3A_32 step %scan3A_33  : i32 {
      %mul3A_46 = arith.constant 2 : i32
      %mul3A_47 = arith.muli %mul3A_46, %scan3A_45 : i32
      %add3A_48 = arith.constant 0 : i32
      %add3A_49 = arith.addi %mul3A_47, %add3A_48 : i32
      %mul3A_50 = arith.constant 32 : i32
      %mul3A_51 = arith.muli %add3A_49, %mul3A_50 : i32
      %add3A_52 = arith.addi %mul3A_51, %add3A : i32
      %dma_wait3A = arith.constant 0 : i32
      %dma_wait3A_53 = arith.constant 0 : i32
      %dma_wait3A_54 = tpu.memref_slice %arg2[%dma_wait3A, %dma_wait3A_53] : memref<8x16384xf32, #tpu.memory_space<hbm>> -> memref<8x128xf32, #tpu.memory_space<hbm>>
      %dma_wait3A_55 = arith.constant 0 : i32
      %dma_wait3A_56 = arith.constant 0 : i32
      %dma_wait3A_57 = tpu.memref_slice %arg2[%dma_wait3A_55, %dma_wait3A_56] : memref<8x16384xf32, #tpu.memory_space<hbm>> -> memref<8x128xf32, #tpu.memory_space<hbm>>
      tpu.wait_dma2 semaphore(%arg14 : memref<!tpu.dma_semaphore, #tpu.memory_space<semaphore_mem>>) src(%dma_wait3A_57 : memref<8x128xf32, #tpu.memory_space<hbm>>) dst(%arg5 : memref<8x128xf32, #tpu.memory_space<vmem>>)
      %dma_wait3A_58 = arith.constant 0 : i32
      %dma_wait3A_59 = arith.constant 0 : i32
      %dma_wait3A_60 = arith.constant 0 : i32
      %dma_wait3A_61 = tpu.memref_slice %arg3[%dma_wait3A_58, %dma_wait3A_59, %dma_wait3A_60] : memref<2x64x56564xf32, #tpu.memory_space<hbm>> -> memref<1x64x128xf32, #tpu.memory_space<hbm>>
      %dma_wait3A_62 = tpu.memref_squeeze %dma_wait3A_61 : memref<1x64x128xf32, #tpu.memory_space<hbm>> -> memref<64x128xf32, #tpu.memory_space<hbm>>
      %dma_wait3A_63 = arith.constant 0 : i32
      %dma_wait3A_64 = arith.constant 0 : i32
      %dma_wait3A_65 = tpu.memref_slice %arg3[%dma_wait3A_58, %dma_wait3A_63, %dma_wait3A_64] : memref<2x64x56564xf32, #tpu.memory_space<hbm>> -> memref<1x64x128xf32, #tpu.memory_space<hbm>>
      %dma_wait3A_66 = tpu.memref_squeeze %dma_wait3A_65 : memref<1x64x128xf32, #tpu.memory_space<hbm>> -> memref<64x128xf32, #tpu.memory_space<hbm>>
      tpu.wait_dma2 semaphore(%arg14 : memref<!tpu.dma_semaphore, #tpu.memory_space<semaphore_mem>>) src(%dma_wait3A_66 : memref<64x128xf32, #tpu.memory_space<hbm>>) dst(%arg6 : memref<64x128xf32, #tpu.memory_space<vmem>>)
      %dma_wait3A_67 = arith.constant 1 : i32
      %dma_wait3A_68 = arith.constant 0 : i32
      %dma_wait3A_69 = arith.constant 0 : i32
      %dma_wait3A_70 = tpu.memref_slice %arg3[%dma_wait3A_67, %dma_wait3A_68, %dma_wait3A_69] : memref<2x64x56564xf32, #tpu.memory_space<hbm>> -> memref<1x64x128xf32, #tpu.memory_space<hbm>>
      %dma_wait3A_71 = tpu.memref_squeeze %dma_wait3A_70 : memref<1x64x128xf32, #tpu.memory_space<hbm>> -> memref<64x128xf32, #tpu.memory_space<hbm>>
      %dma_wait3A_72 = arith.constant 0 : i32
      %dma_wait3A_73 = arith.constant 0 : i32
      %dma_wait3A_74 = tpu.memref_slice %arg3[%dma_wait3A_67, %dma_wait3A_72, %dma_wait3A_73] : memref<2x64x56564xf32, #tpu.memory_space<hbm>> -> memref<1x64x128xf32, #tpu.memory_space<hbm>>
      %dma_wait3A_75 = tpu.memref_squeeze %dma_wait3A_74 : memref<1x64x128xf32, #tpu.memory_space<hbm>> -> memref<64x128xf32, #tpu.memory_space<hbm>>
      tpu.wait_dma2 semaphore(%arg14 : memref<!tpu.dma_semaphore, #tpu.memory_space<semaphore_mem>>) src(%dma_wait3A_75 : memref<64x128xf32, #tpu.memory_space<hbm>>) dst(%arg7 : memref<64x128xf32, #tpu.memory_space<vmem>>)
      %add3A_76 = arith.constant 1 : i32
      %add3A_77 = arith.addi %add3A_49, %add3A_76 : i32
      %mul3A_78 = arith.constant 32 : i32
      %mul3A_79 = arith.muli %add3A_77, %mul3A_78 : i32
      %add3A_80 = arith.addi %mul3A_79, %add3A : i32
      %lt3A = arith.constant 128 : i32
      %lt3A_81 = arith.cmpi slt, %add3A_80, %lt3A : i32
      %convert_element_type3A = arith.extui %lt3A_81 : i1 to i32
      %cond3A = arith.constant 0 : i32
      %cond3A_82 = arith.cmpi ne, %convert_element_type3A, %cond3A : i32
      scf.if %cond3A_82 {
        %mul3A_136 = arith.constant 128 : i32
        %mul3A_137 = arith.muli %add3A_80, %mul3A_136 : i32
        %multiple_of3A_138 = tpu.assume_multiple %mul3A_137, 128 : i32
        %dma_start3A_139 = arith.constant 0 : i32
        %dma_start3A_140 = tpu.memref_slice %arg2[%dma_start3A_139, %multiple_of3A_138] : memref<8x16384xf32, #tpu.memory_space<hbm>> -> memref<8x128xf32, #tpu.memory_space<hbm>>
        %dma_start3A_141 = arith.constant 0 : i32
        %dma_start3A_142 = tpu.memref_slice %arg2[%dma_start3A_141, %multiple_of3A_138] : memref<8x16384xf32, #tpu.memory_space<hbm>> -> memref<8x128xf32, #tpu.memory_space<hbm>>
        tpu.enqueue_dma source(%dma_start3A_142 : memref<8x128xf32, #tpu.memory_space<hbm>>) target(%arg8 : memref<8x128xf32, #tpu.memory_space<vmem>>) target_semaphore(%arg15 : memref<!tpu.dma_semaphore, #tpu.memory_space<semaphore_mem>>)
        %dma_start3A_143 = arith.constant 0 : i32
        %dma_start3A_144 = arith.constant 0 : i32
        %dma_start3A_145 = tpu.memref_slice %arg3[%dma_start3A_143, %dma_start3A_144, %multiple_of3A_138] : memref<2x64x56564xf32, #tpu.memory_space<hbm>> -> memref<1x64x128xf32, #tpu.memory_space<hbm>>
        %dma_start3A_146 = tpu.memref_squeeze %dma_start3A_145 : memref<1x64x128xf32, #tpu.memory_space<hbm>> -> memref<64x128xf32, #tpu.memory_space<hbm>>
        %dma_start3A_147 = arith.constant 0 : i32
        %dma_start3A_148 = tpu.memref_slice %arg3[%dma_start3A_143, %dma_start3A_147, %multiple_of3A_138] : memref<2x64x56564xf32, #tpu.memory_space<hbm>> -> memref<1x64x128xf32, #tpu.memory_space<hbm>>
        %dma_start3A_149 = tpu.memref_squeeze %dma_start3A_148 : memref<1x64x128xf32, #tpu.memory_space<hbm>> -> memref<64x128xf32, #tpu.memory_space<hbm>>
        tpu.enqueue_dma source(%dma_start3A_149 : memref<64x128xf32, #tpu.memory_space<hbm>>) target(%arg9 : memref<64x128xf32, #tpu.memory_space<vmem>>) target_semaphore(%arg15 : memref<!tpu.dma_semaphore, #tpu.memory_space<semaphore_mem>>)
        %dma_start3A_150 = arith.constant 1 : i32
        %dma_start3A_151 = arith.constant 0 : i32
        %dma_start3A_152 = tpu.memref_slice %arg3[%dma_start3A_150, %dma_start3A_151, %multiple_of3A_138] : memref<2x64x56564xf32, #tpu.memory_space<hbm>> -> memref<1x64x128xf32, #tpu.memory_space<hbm>>
        %dma_start3A_153 = tpu.memref_squeeze %dma_start3A_152 : memref<1x64x128xf32, #tpu.memory_space<hbm>> -> memref<64x128xf32, #tpu.memory_space<hbm>>
        %dma_start3A_154 = arith.constant 0 : i32
        %dma_start3A_155 = tpu.memref_slice %arg3[%dma_start3A_150, %dma_start3A_154, %multiple_of3A_138] : memref<2x64x56564xf32, #tpu.memory_space<hbm>> -> memref<1x64x128xf32, #tpu.memory_space<hbm>>
        %dma_start3A_156 = tpu.memref_squeeze %dma_start3A_155 : memref<1x64x128xf32, #tpu.memory_space<hbm>> -> memref<64x128xf32, #tpu.memory_space<hbm>>
        tpu.enqueue_dma source(%dma_start3A_156 : memref<64x128xf32, #tpu.memory_space<hbm>>) target(%arg10 : memref<64x128xf32, #tpu.memory_space<vmem>>) target_semaphore(%arg15 : memref<!tpu.dma_semaphore, #tpu.memory_space<semaphore_mem>>)
      } else {
      }
      %scan3A_83 = arith.constant 0 : i32
      %scan3A_84 = arith.constant 0 : i32
      %scan3A_85 = arith.constant 8 : i32
      %scan3A_86 = arith.addi %scan3A_84, %scan3A_85 : i32
      %scan3A_87 = arith.constant 1 : i32
      scf.for %scan3A_136 = %scan3A_84 to %scan3A_86 step %scan3A_87  : i32 {
        %mul3A_137 = arith.constant 16 : i32
        %mul3A_138 = arith.muli %scan3A_136, %mul3A_137 : i32
        %get3A = arith.constant 0 : i32
        %get3A_139 = arith.index_cast %get3A : i32 to index
        %get3A_140 = arith.index_cast %mul3A_138 : i32 to index
        %get3A_141 = tpu.vector_load %arg5[%get3A_139, %get3A_140] {strides = array<i32>} : memref<8x128xf32, #tpu.memory_space<vmem>>, vector<16xf32>,
        %get3A_142 = arith.constant 1 : i32
        %get3A_143 = arith.index_cast %get3A_142 : i32 to index
        %get3A_144 = arith.index_cast %mul3A_138 : i32 to index
        %get3A_145 = tpu.vector_load %arg5[%get3A_143, %get3A_144] {strides = array<i32>} : memref<8x128xf32, #tpu.memory_space<vmem>>, vector<16xf32>,
        %get3A_146 = arith.constant 2 : i32
        %get3A_147 = arith.index_cast %get3A_146 : i32 to index
        %get3A_148 = arith.index_cast %mul3A_138 : i32 to index
        %get3A_149 = tpu.vector_load %arg5[%get3A_147, %get3A_148] {strides = array<i32>} : memref<8x128xf32, #tpu.memory_space<vmem>>, vector<16xf32>,
        %get3A_150 = arith.constant 3 : i32
        %get3A_151 = arith.index_cast %get3A_150 : i32 to index
        %get3A_152 = arith.index_cast %mul3A_138 : i32 to index
        %get3A_153 = tpu.vector_load %arg5[%get3A_151, %get3A_152] {strides = array<i32>} : memref<8x128xf32, #tpu.memory_space<vmem>>, vector<16xf32>,
        %get3A_154 = arith.constant 4 : i32
        %get3A_155 = arith.index_cast %get3A_154 : i32 to index
        %get3A_156 = arith.index_cast %mul3A_138 : i32 to index
        %get3A_157 = tpu.vector_load %arg5[%get3A_155, %get3A_156] {strides = array<i32>} : memref<8x128xf32, #tpu.memory_space<vmem>>, vector<16xf32>,
        %get3A_158 = arith.constant 5 : i32
        %get3A_159 = arith.index_cast %get3A_158 : i32 to index
        %get3A_160 = arith.index_cast %mul3A_138 : i32 to index
        %get3A_161 = tpu.vector_load %arg5[%get3A_159, %get3A_160] {strides = array<i32>} : memref<8x128xf32, #tpu.memory_space<vmem>>, vector<16xf32>,
        %get3A_162 = arith.constant 6 : i32
        %get3A_163 = arith.index_cast %get3A_162 : i32 to index
        %get3A_164 = arith.index_cast %mul3A_138 : i32 to index
        %get3A_165 = tpu.vector_load %arg5[%get3A_163, %get3A_164] {strides = array<i32>} : memref<8x128xf32, #tpu.memory_space<vmem>>, vector<16xf32>,
        %get3A_166 = arith.constant 7 : i32
        %get3A_167 = arith.index_cast %get3A_166 : i32 to index
        %get3A_168 = arith.index_cast %mul3A_138 : i32 to index
        %get3A_169 = tpu.vector_load %arg5[%get3A_167, %get3A_168] {strides = array<i32>} : memref<8x128xf32, #tpu.memory_space<vmem>>, vector<16xf32>,
        %max3A = arith.maximumf %get3A_141, %get3A_145 : vector<16xf32>
        %max3A_170 = arith.maximumf %get3A_149, %get3A_153 : vector<16xf32>
        %max3A_171 = arith.maximumf %get3A_157, %get3A_161 : vector<16xf32>
        %max3A_172 = arith.maximumf %get3A_165, %get3A_169 : vector<16xf32>
        %max3A_173 = arith.maximumf %max3A, %max3A_170 : vector<16xf32>
        %max3A_174 = arith.maximumf %max3A_171, %max3A_172 : vector<16xf32>
        %max3A_175 = arith.maximumf %max3A_173, %max3A_174 : vector<16xf32>
        %broadcast_in_dim3A_176 = arith.constant 7 : i32
        %broadcast_in_dim3A_177 = vector.broadcast %broadcast_in_dim3A_176 : i32 to vector<16xi32>
        %eq3A = arith.cmpf oeq, %get3A_165, %max3A_175 : vector<16xf32>
        %jit3A = arith.constant 6 : i32
        %broadcast_in_dim3A_178 = vector.broadcast %jit3A : i32 to vector<16xi32>
        %select_n3A = arith.select %eq3A, %broadcast_in_dim3A_178, %broadcast_in_dim3A_177 : vector<16xi1>, vector<16xi32>
        %eq3A_179 = arith.cmpf oeq, %get3A_161, %max3A_175 : vector<16xf32>
        %jit3A_180 = arith.constant 5 : i32
        %broadcast_in_dim3A_181 = vector.broadcast %jit3A_180 : i32 to vector<16xi32>
        %select_n3A_182 = arith.select %eq3A_179, %broadcast_in_dim3A_181, %select_n3A : vector<16xi1>, vector<16xi32>
        %eq3A_183 = arith.cmpf oeq, %get3A_157, %max3A_175 : vector<16xf32>
        %jit3A_184 = arith.constant 4 : i32
        %broadcast_in_dim3A_185 = vector.broadcast %jit3A_184 : i32 to vector<16xi32>
        %select_n3A_186 = arith.select %eq3A_183, %broadcast_in_dim3A_185, %select_n3A_182 : vector<16xi1>, vector<16xi32>
        %eq3A_187 = arith.cmpf oeq, %get3A_153, %max3A_175 : vector<16xf32>
        %jit3A_188 = arith.constant 3 : i32
        %broadcast_in_dim3A_189 = vector.broadcast %jit3A_188 : i32 to vector<16xi32>
        %select_n3A_190 = arith.select %eq3A_187, %broadcast_in_dim3A_189, %select_n3A_186 : vector<16xi1>, vector<16xi32>
        %eq3A_191 = arith.cmpf oeq, %get3A_149, %max3A_175 : vector<16xf32>
        %jit3A_192 = arith.constant 2 : i32
        %broadcast_in_dim3A_193 = vector.broadcast %jit3A_192 : i32 to vector<16xi32>
        %select_n3A_194 = arith.select %eq3A_191, %broadcast_in_dim3A_193, %select_n3A_190 : vector<16xi1>, vector<16xi32>
        %eq3A_195 = arith.cmpf oeq, %get3A_145, %max3A_175 : vector<16xf32>
        %jit3A_196 = arith.constant 1 : i32
        %broadcast_in_dim3A_197 = vector.broadcast %jit3A_196 : i32 to vector<16xi32>
        %select_n3A_198 = arith.select %eq3A_195, %broadcast_in_dim3A_197, %select_n3A_194 : vector<16xi1>, vector<16xi32>
        %eq3A_199 = arith.cmpf oeq, %get3A_141, %max3A_175 : vector<16xf32>
        %jit3A_200 = arith.constant 0 : i32
        %broadcast_in_dim3A_201 = vector.broadcast %jit3A_200 : i32 to vector<16xi32>
        %select_n3A_202 = arith.select %eq3A_199, %broadcast_in_dim3A_201, %select_n3A_198 : vector<16xi1>, vector<16xi32>
        %mul3A_203 = arith.constant 1040 : i32
        %mul3A_204 = vector.broadcast %mul3A_203 : i32 to vector<16xi32>
        %mul3A_205 = arith.muli %select_n3A_202, %mul3A_204 : vector<16xi32>
        %add3A_206 = arith.addi %mul3A_205, %mul3A_4 : vector<16xi32>
        %parallel_loop3A = arith.constant 0 : i32
        %parallel_loop3A_207 = arith.constant 64 : i32
        %parallel_loop3A_208 = arith.constant 1 : i32
        scf.for %parallel_loop3A_209 = %parallel_loop3A to %parallel_loop3A_207 step %parallel_loop3A_208  : i32 {
          %parallel_loop3A_210 = vector.broadcast %parallel_loop3A_209 : i32 to vector<16xi32>
          %parallel_loop3A_211 = arith.addi %add3A_206, %parallel_loop3A_210 : vector<16xi32>
          %parallel_loop3A_212 = arith.index_cast %parallel_loop3A_209 : i32 to index
          %parallel_loop3A_213 = arith.index_cast %mul3A_138 : i32 to index
          %parallel_loop3A_214 = tpu.vector_load %arg6[%parallel_loop3A_212, %parallel_loop3A_213] {strides = array<i32>} : memref<64x128xf32, #tpu.memory_space<vmem>>, vector<16xf32>,
          %parallel_loop3A_215 = arith.index_cast %parallel_loop3A_209 : i32 to index
          %parallel_loop3A_216 = arith.index_cast %mul3A_138 : i32 to index
          %parallel_loop3A_217 = tpu.vector_load %arg7[%parallel_loop3A_215, %parallel_loop3A_216] {strides = array<i32>} : memref<64x128xf32, #tpu.memory_space<vmem>>, vector<16xf32>,
          tpu.vector_store_idx %arg11[%parallel_loop3A_211], %parallel_loop3A_214 {add = true} : memref<9360xf32, #tpu.memory_space<vmem>>[vector<16xi32>], vector<16xf32>,
          tpu.vector_store_idx %arg12[%parallel_loop3A_211], %parallel_loop3A_217 {add = true} : memref<9360xf32, #tpu.memory_space<vmem>>[vector<16xi32>], vector<16xf32>,
        } {sc.loop_unroll_factor = 4 : i64, sc.parallel_access}
      }
      %scan3A_88 = arith.constant 8 : i32
      %mul3A_89 = arith.constant 2 : i32
      %mul3A_90 = arith.muli %mul3A_89, %scan3A_45 : i32
      %add3A_91 = arith.constant 1 : i32
      %add3A_92 = arith.addi %mul3A_90, %add3A_91 : i32
      %mul3A_93 = arith.constant 32 : i32
      %mul3A_94 = arith.muli %add3A_92, %mul3A_93 : i32
      %add3A_95 = arith.addi %mul3A_94, %add3A : i32
      %dma_wait3A_96 = arith.constant 0 : i32
      %dma_wait3A_97 = arith.constant 0 : i32
      %dma_wait3A_98 = tpu.memref_slice %arg2[%dma_wait3A_96, %dma_wait3A_97] : memref<8x16384xf32, #tpu.memory_space<hbm>> -> memref<8x128xf32, #tpu.memory_space<hbm>>
      %dma_wait3A_99 = arith.constant 0 : i32
      %dma_wait3A_100 = arith.constant 0 : i32
      %dma_wait3A_101 = tpu.memref_slice %arg2[%dma_wait3A_99, %dma_wait3A_100] : memref<8x16384xf32, #tpu.memory_space<hbm>> -> memref<8x128xf32, #tpu.memory_space<hbm>>
      tpu.wait_dma2 semaphore(%arg15 : memref<!tpu.dma_semaphore, #tpu.memory_space<semaphore_mem>>) src(%dma_wait3A_101 : memref<8x128xf32, #tpu.memory_space<hbm>>) dst(%arg8 : memref<8x128xf32, #tpu.memory_space<vmem>>)
      %dma_wait3A_102 = arith.constant 0 : i32
      %dma_wait3A_103 = arith.constant 0 : i32
      %dma_wait3A_104 = arith.constant 0 : i32
      %dma_wait3A_105 = tpu.memref_slice %arg3[%dma_wait3A_102, %dma_wait3A_103, %dma_wait3A_104] : memref<2x64x56564xf32, #tpu.memory_space<hbm>> -> memref<1x64x128xf32, #tpu.memory_space<hbm>>
      %dma_wait3A_106 = tpu.memref_squeeze %dma_wait3A_105 : memref<1x64x128xf32, #tpu.memory_space<hbm>> -> memref<64x128xf32, #tpu.memory_space<hbm>>
      %dma_wait3A_107 = arith.constant 0 : i32
      %dma_wait3A_108 = arith.constant 0 : i32
      %dma_wait3A_109 = tpu.memref_slice %arg3[%dma_wait3A_102, %dma_wait3A_107, %dma_wait3A_108] : memref<2x64x56564xf32, #tpu.memory_space<hbm>> -> memref<1x64x128xf32, #tpu.memory_space<hbm>>
      %dma_wait3A_110 = tpu.memref_squeeze %dma_wait3A_109 : memref<1x64x128xf32, #tpu.memory_space<hbm>> -> memref<64x128xf32, #tpu.memory_space<hbm>>
      tpu.wait_dma2 semaphore(%arg15 : memref<!tpu.dma_semaphore, #tpu.memory_space<semaphore_mem>>) src(%dma_wait3A_110 : memref<64x128xf32, #tpu.memory_space<hbm>>) dst(%arg9 : memref<64x128xf32, #tpu.memory_space<vmem>>)
      %dma_wait3A_111 = arith.constant 1 : i32
      %dma_wait3A_112 = arith.constant 0 : i32
      %dma_wait3A_113 = arith.constant 0 : i32
      %dma_wait3A_114 = tpu.memref_slice %arg3[%dma_wait3A_111, %dma_wait3A_112, %dma_wait3A_113] : memref<2x64x56564xf32, #tpu.memory_space<hbm>> -> memref<1x64x128xf32, #tpu.memory_space<hbm>>
      %dma_wait3A_115 = tpu.memref_squeeze %dma_wait3A_114 : memref<1x64x128xf32, #tpu.memory_space<hbm>> -> memref<64x128xf32, #tpu.memory_space<hbm>>
      %dma_wait3A_116 = arith.constant 0 : i32
      %dma_wait3A_117 = arith.constant 0 : i32
      %dma_wait3A_118 = tpu.memref_slice %arg3[%dma_wait3A_111, %dma_wait3A_116, %dma_wait3A_117] : memref<2x64x56564xf32, #tpu.memory_space<hbm>> -> memref<1x64x128xf32, #tpu.memory_space<hbm>>
      %dma_wait3A_119 = tpu.memref_squeeze %dma_wait3A_118 : memref<1x64x128xf32, #tpu.memory_space<hbm>> -> memref<64x128xf32, #tpu.memory_space<hbm>>
      tpu.wait_dma2 semaphore(%arg15 : memref<!tpu.dma_semaphore, #tpu.memory_space<semaphore_mem>>) src(%dma_wait3A_119 : memref<64x128xf32, #tpu.memory_space<hbm>>) dst(%arg10 : memref<64x128xf32, #tpu.memory_space<vmem>>)
      %add3A_120 = arith.constant 1 : i32
      %add3A_121 = arith.addi %add3A_92, %add3A_120 : i32
      %mul3A_122 = arith.constant 32 : i32
      %mul3A_123 = arith.muli %add3A_121, %mul3A_122 : i32
      %add3A_124 = arith.addi %mul3A_123, %add3A : i32
      %lt3A_125 = arith.constant 128 : i32
      %lt3A_126 = arith.cmpi slt, %add3A_124, %lt3A_125 : i32
      %convert_element_type3A_127 = arith.extui %lt3A_126 : i1 to i32
      %cond3A_128 = arith.constant 0 : i32
      %cond3A_129 = arith.cmpi ne, %convert_element_type3A_127, %cond3A_128 : i32
      scf.if %cond3A_129 {
        %mul3A_136 = arith.constant 128 : i32
        %mul3A_137 = arith.muli %add3A_124, %mul3A_136 : i32
        %multiple_of3A_138 = tpu.assume_multiple %mul3A_137, 128 : i32
        %dma_start3A_139 = arith.constant 0 : i32
        %dma_start3A_140 = tpu.memref_slice %arg2[%dma_start3A_139, %multiple_of3A_138] : memref<8x16384xf32, #tpu.memory_space<hbm>> -> memref<8x128xf32, #tpu.memory_space<hbm>>
        %dma_start3A_141 = arith.constant 0 : i32
        %dma_start3A_142 = tpu.memref_slice %arg2[%dma_start3A_141, %multiple_of3A_138] : memref<8x16384xf32, #tpu.memory_space<hbm>> -> memref<8x128xf32, #tpu.memory_space<hbm>>
        tpu.enqueue_dma source(%dma_start3A_142 : memref<8x128xf32, #tpu.memory_space<hbm>>) target(%arg5 : memref<8x128xf32, #tpu.memory_space<vmem>>) target_semaphore(%arg14 : memref<!tpu.dma_semaphore, #tpu.memory_space<semaphore_mem>>)
        %dma_start3A_143 = arith.constant 0 : i32
        %dma_start3A_144 = arith.constant 0 : i32
        %dma_start3A_145 = tpu.memref_slice %arg3[%dma_start3A_143, %dma_start3A_144, %multiple_of3A_138] : memref<2x64x56564xf32, #tpu.memory_space<hbm>> -> memref<1x64x128xf32, #tpu.memory_space<hbm>>
        %dma_start3A_146 = tpu.memref_squeeze %dma_start3A_145 : memref<1x64x128xf32, #tpu.memory_space<hbm>> -> memref<64x128xf32, #tpu.memory_space<hbm>>
        %dma_start3A_147 = arith.constant 0 : i32
        %dma_start3A_148 = tpu.memref_slice %arg3[%dma_start3A_143, %dma_start3A_147, %multiple_of3A_138] : memref<2x64x56564xf32, #tpu.memory_space<hbm>> -> memref<1x64x128xf32, #tpu.memory_space<hbm>>
        %dma_start3A_149 = tpu.memref_squeeze %dma_start3A_148 : memref<1x64x128xf32, #tpu.memory_space<hbm>> -> memref<64x128xf32, #tpu.memory_space<hbm>>
        tpu.enqueue_dma source(%dma_start3A_149 : memref<64x128xf32, #tpu.memory_space<hbm>>) target(%arg6 : memref<64x128xf32, #tpu.memory_space<vmem>>) target_semaphore(%arg14 : memref<!tpu.dma_semaphore, #tpu.memory_space<semaphore_mem>>)
        %dma_start3A_150 = arith.constant 1 : i32
        %dma_start3A_151 = arith.constant 0 : i32
        %dma_start3A_152 = tpu.memref_slice %arg3[%dma_start3A_150, %dma_start3A_151, %multiple_of3A_138] : memref<2x64x56564xf32, #tpu.memory_space<hbm>> -> memref<1x64x128xf32, #tpu.memory_space<hbm>>
        %dma_start3A_153 = tpu.memref_squeeze %dma_start3A_152 : memref<1x64x128xf32, #tpu.memory_space<hbm>> -> memref<64x128xf32, #tpu.memory_space<hbm>>
        %dma_start3A_154 = arith.constant 0 : i32
        %dma_start3A_155 = tpu.memref_slice %arg3[%dma_start3A_150, %dma_start3A_154, %multiple_of3A_138] : memref<2x64x56564xf32, #tpu.memory_space<hbm>> -> memref<1x64x128xf32, #tpu.memory_space<hbm>>
        %dma_start3A_156 = tpu.memref_squeeze %dma_start3A_155 : memref<1x64x128xf32, #tpu.memory_space<hbm>> -> memref<64x128xf32, #tpu.memory_space<hbm>>
        tpu.enqueue_dma source(%dma_start3A_156 : memref<64x128xf32, #tpu.memory_space<hbm>>) target(%arg7 : memref<64x128xf32, #tpu.memory_space<vmem>>) target_semaphore(%arg14 : memref<!tpu.dma_semaphore, #tpu.memory_space<semaphore_mem>>)
      } else {
      }
      %scan3A_130 = arith.constant 0 : i32
      %scan3A_131 = arith.constant 0 : i32
      %scan3A_132 = arith.constant 8 : i32
      %scan3A_133 = arith.addi %scan3A_131, %scan3A_132 : i32
      %scan3A_134 = arith.constant 1 : i32
      scf.for %scan3A_136 = %scan3A_131 to %scan3A_133 step %scan3A_134  : i32 {
        %mul3A_137 = arith.constant 16 : i32
        %mul3A_138 = arith.muli %scan3A_136, %mul3A_137 : i32
        %get3A = arith.constant 0 : i32
        %get3A_139 = arith.index_cast %get3A : i32 to index
        %get3A_140 = arith.index_cast %mul3A_138 : i32 to index
        %get3A_141 = tpu.vector_load %arg8[%get3A_139, %get3A_140] {strides = array<i32>} : memref<8x128xf32, #tpu.memory_space<vmem>>, vector<16xf32>,
        %get3A_142 = arith.constant 1 : i32
        %get3A_143 = arith.index_cast %get3A_142 : i32 to index
        %get3A_144 = arith.index_cast %mul3A_138 : i32 to index
        %get3A_145 = tpu.vector_load %arg8[%get3A_143, %get3A_144] {strides = array<i32>} : memref<8x128xf32, #tpu.memory_space<vmem>>, vector<16xf32>,
        %get3A_146 = arith.constant 2 : i32
        %get3A_147 = arith.index_cast %get3A_146 : i32 to index
        %get3A_148 = arith.index_cast %mul3A_138 : i32 to index
        %get3A_149 = tpu.vector_load %arg8[%get3A_147, %get3A_148] {strides = array<i32>} : memref<8x128xf32, #tpu.memory_space<vmem>>, vector<16xf32>,
        %get3A_150 = arith.constant 3 : i32
        %get3A_151 = arith.index_cast %get3A_150 : i32 to index
        %get3A_152 = arith.index_cast %mul3A_138 : i32 to index
        %get3A_153 = tpu.vector_load %arg8[%get3A_151, %get3A_152] {strides = array<i32>} : memref<8x128xf32, #tpu.memory_space<vmem>>, vector<16xf32>,
        %get3A_154 = arith.constant 4 : i32
        %get3A_155 = arith.index_cast %get3A_154 : i32 to index
        %get3A_156 = arith.index_cast %mul3A_138 : i32 to index
        %get3A_157 = tpu.vector_load %arg8[%get3A_155, %get3A_156] {strides = array<i32>} : memref<8x128xf32, #tpu.memory_space<vmem>>, vector<16xf32>,
        %get3A_158 = arith.constant 5 : i32
        %get3A_159 = arith.index_cast %get3A_158 : i32 to index
        %get3A_160 = arith.index_cast %mul3A_138 : i32 to index
        %get3A_161 = tpu.vector_load %arg8[%get3A_159, %get3A_160] {strides = array<i32>} : memref<8x128xf32, #tpu.memory_space<vmem>>, vector<16xf32>,
        %get3A_162 = arith.constant 6 : i32
        %get3A_163 = arith.index_cast %get3A_162 : i32 to index
        %get3A_164 = arith.index_cast %mul3A_138 : i32 to index
        %get3A_165 = tpu.vector_load %arg8[%get3A_163, %get3A_164] {strides = array<i32>} : memref<8x128xf32, #tpu.memory_space<vmem>>, vector<16xf32>,
        %get3A_166 = arith.constant 7 : i32
        %get3A_167 = arith.index_cast %get3A_166 : i32 to index
        %get3A_168 = arith.index_cast %mul3A_138 : i32 to index
        %get3A_169 = tpu.vector_load %arg8[%get3A_167, %get3A_168] {strides = array<i32>} : memref<8x128xf32, #tpu.memory_space<vmem>>, vector<16xf32>,
        %max3A = arith.maximumf %get3A_141, %get3A_145 : vector<16xf32>
        %max3A_170 = arith.maximumf %get3A_149, %get3A_153 : vector<16xf32>
        %max3A_171 = arith.maximumf %get3A_157, %get3A_161 : vector<16xf32>
        %max3A_172 = arith.maximumf %get3A_165, %get3A_169 : vector<16xf32>
        %max3A_173 = arith.maximumf %max3A, %max3A_170 : vector<16xf32>
        %max3A_174 = arith.maximumf %max3A_171, %max3A_172 : vector<16xf32>
        %max3A_175 = arith.maximumf %max3A_173, %max3A_174 : vector<16xf32>
        %broadcast_in_dim3A_176 = arith.constant 7 : i32
        %broadcast_in_dim3A_177 = vector.broadcast %broadcast_in_dim3A_176 : i32 to vector<16xi32>
        %eq3A = arith.cmpf oeq, %get3A_165, %max3A_175 : vector<16xf32>
        %jit3A = arith.constant 6 : i32
        %broadcast_in_dim3A_178 = vector.broadcast %jit3A : i32 to vector<16xi32>
        %select_n3A = arith.select %eq3A, %broadcast_in_dim3A_178, %broadcast_in_dim3A_177 : vector<16xi1>, vector<16xi32>
        %eq3A_179 = arith.cmpf oeq, %get3A_161, %max3A_175 : vector<16xf32>
        %jit3A_180 = arith.constant 5 : i32
        %broadcast_in_dim3A_181 = vector.broadcast %jit3A_180 : i32 to vector<16xi32>
        %select_n3A_182 = arith.select %eq3A_179, %broadcast_in_dim3A_181, %select_n3A : vector<16xi1>, vector<16xi32>
        %eq3A_183 = arith.cmpf oeq, %get3A_157, %max3A_175 : vector<16xf32>
        %jit3A_184 = arith.constant 4 : i32
        %broadcast_in_dim3A_185 = vector.broadcast %jit3A_184 : i32 to vector<16xi32>
        %select_n3A_186 = arith.select %eq3A_183, %broadcast_in_dim3A_185, %select_n3A_182 : vector<16xi1>, vector<16xi32>
        %eq3A_187 = arith.cmpf oeq, %get3A_153, %max3A_175 : vector<16xf32>
        %jit3A_188 = arith.constant 3 : i32
        %broadcast_in_dim3A_189 = vector.broadcast %jit3A_188 : i32 to vector<16xi32>
        %select_n3A_190 = arith.select %eq3A_187, %broadcast_in_dim3A_189, %select_n3A_186 : vector<16xi1>, vector<16xi32>
        %eq3A_191 = arith.cmpf oeq, %get3A_149, %max3A_175 : vector<16xf32>
        %jit3A_192 = arith.constant 2 : i32
        %broadcast_in_dim3A_193 = vector.broadcast %jit3A_192 : i32 to vector<16xi32>
        %select_n3A_194 = arith.select %eq3A_191, %broadcast_in_dim3A_193, %select_n3A_190 : vector<16xi1>, vector<16xi32>
        %eq3A_195 = arith.cmpf oeq, %get3A_145, %max3A_175 : vector<16xf32>
        %jit3A_196 = arith.constant 1 : i32
        %broadcast_in_dim3A_197 = vector.broadcast %jit3A_196 : i32 to vector<16xi32>
        %select_n3A_198 = arith.select %eq3A_195, %broadcast_in_dim3A_197, %select_n3A_194 : vector<16xi1>, vector<16xi32>
        %eq3A_199 = arith.cmpf oeq, %get3A_141, %max3A_175 : vector<16xf32>
        %jit3A_200 = arith.constant 0 : i32
        %broadcast_in_dim3A_201 = vector.broadcast %jit3A_200 : i32 to vector<16xi32>
        %select_n3A_202 = arith.select %eq3A_199, %broadcast_in_dim3A_201, %select_n3A_198 : vector<16xi1>, vector<16xi32>
        %mul3A_203 = arith.constant 1040 : i32
        %mul3A_204 = vector.broadcast %mul3A_203 : i32 to vector<16xi32>
        %mul3A_205 = arith.muli %select_n3A_202, %mul3A_204 : vector<16xi32>
        %add3A_206 = arith.addi %mul3A_205, %mul3A_4 : vector<16xi32>
        %parallel_loop3A = arith.constant 0 : i32
        %parallel_loop3A_207 = arith.constant 64 : i32
        %parallel_loop3A_208 = arith.constant 1 : i32
        scf.for %parallel_loop3A_209 = %parallel_loop3A to %parallel_loop3A_207 step %parallel_loop3A_208  : i32 {
          %parallel_loop3A_210 = vector.broadcast %parallel_loop3A_209 : i32 to vector<16xi32>
          %parallel_loop3A_211 = arith.addi %add3A_206, %parallel_loop3A_210 : vector<16xi32>
          %parallel_loop3A_212 = arith.index_cast %parallel_loop3A_209 : i32 to index
          %parallel_loop3A_213 = arith.index_cast %mul3A_138 : i32 to index
          %parallel_loop3A_214 = tpu.vector_load %arg9[%parallel_loop3A_212, %parallel_loop3A_213] {strides = array<i32>} : memref<64x128xf32, #tpu.memory_space<vmem>>, vector<16xf32>,
          %parallel_loop3A_215 = arith.index_cast %parallel_loop3A_209 : i32 to index
          %parallel_loop3A_216 = arith.index_cast %mul3A_138 : i32 to index
          %parallel_loop3A_217 = tpu.vector_load %arg10[%parallel_loop3A_215, %parallel_loop3A_216] {strides = array<i32>} : memref<64x128xf32, #tpu.memory_space<vmem>>, vector<16xf32>,
          tpu.vector_store_idx %arg11[%parallel_loop3A_211], %parallel_loop3A_214 {add = true} : memref<9360xf32, #tpu.memory_space<vmem>>[vector<16xi32>], vector<16xf32>,
          tpu.vector_store_idx %arg12[%parallel_loop3A_211], %parallel_loop3A_217 {add = true} : memref<9360xf32, #tpu.memory_space<vmem>>[vector<16xi32>], vector<16xf32>,
        } {sc.loop_unroll_factor = 4 : i64, sc.parallel_access}
      }
      %scan3A_135 = arith.constant 8 : i32
    }
    %scan3A_34 = arith.constant 2 : i32
    %scan3A_35 = arith.constant 0 : i32
    %scan3A_36 = arith.constant 0 : i32
    %scan3A_37 = arith.constant 32 : i32
    %scan3A_38 = arith.addi %scan3A_36, %scan3A_37 : i32
    %scan3A_39 = arith.constant 1 : i32
    scf.for %scan3A_45 = %scan3A_36 to %scan3A_38 step %scan3A_39  : i32 {
      %jit3A = arith.constant 4 : i32
      %div3A = arith.divsi %scan3A_45, %jit3A : i32
      %sign3A = arith.constant 0 : i32
      %sign3A_46 = arith.cmpi sgt, %scan3A_45, %sign3A : i32
      %sign3A_47 = arith.extui %sign3A_46 : i1 to i32
      %sign3A_48 = arith.constant 0 : i32
      %sign3A_49 = arith.cmpi slt, %scan3A_45, %sign3A_48 : i32
      %sign3A_50 = arith.extui %sign3A_49 : i1 to i32
      %sign3A_51 = arith.subi %sign3A_47, %sign3A_50 : i32
      %sign3A_52 = arith.constant 0 : i32
      %sign3A_53 = arith.cmpi sgt, %jit3A, %sign3A_52 : i32
      %sign3A_54 = arith.extui %sign3A_53 : i1 to i32
      %sign3A_55 = arith.constant 0 : i32
      %sign3A_56 = arith.cmpi slt, %jit3A, %sign3A_55 : i32
      %sign3A_57 = arith.extui %sign3A_56 : i1 to i32
      %sign3A_58 = arith.subi %sign3A_54, %sign3A_57 : i32
      %ne3A = arith.cmpi ne, %sign3A_51, %sign3A_58 : i32
      %rem3A = arith.remsi %scan3A_45, %jit3A : i32
      %ne3A_59 = arith.constant 0 : i32
      %ne3A_60 = arith.cmpi ne, %rem3A, %ne3A_59 : i32
      %and3A = arith.andi %ne3A, %ne3A_60 : i1
      %sub3A = arith.constant 1 : i32
      %sub3A_61 = arith.subi %div3A, %sub3A : i32
      %select_n3A = arith.select %and3A, %sub3A_61, %div3A : i32
      %jit3A_62 = arith.constant 4 : i32
      %eq3A = arith.constant 0 : i32
      %eq3A_63 = arith.cmpi eq, %jit3A_62, %eq3A : i32
      %jit3A_64 = arith.constant 1 : i32
      %select_n3A_65 = arith.select %eq3A_63, %jit3A_64, %jit3A_62 : i32
      %rem3A_66 = arith.remsi %scan3A_45, %select_n3A_65 : i32
      %ne3A_67 = arith.constant 0 : i32
      %ne3A_68 = arith.cmpi ne, %rem3A_66, %ne3A_67 : i32
      %lt3A = arith.constant 0 : i32
      %lt3A_69 = arith.cmpi slt, %rem3A_66, %lt3A : i32
      %lt3A_70 = arith.constant 0 : i32
      %lt3A_71 = arith.cmpi slt, %select_n3A_65, %lt3A_70 : i32
      %ne3A_72 = arith.xori %lt3A_69, %lt3A_71 : i1
      %and3A_73 = arith.andi %ne3A_72, %ne3A_68 : i1
      %add3A_74 = arith.addi %rem3A_66, %select_n3A_65 : i32
      %select_n3A_75 = arith.select %and3A_73, %add3A_74, %rem3A_66 : i32
      %mul3A_76 = arith.constant 16 : i32
      %mul3A_77 = arith.muli %select_n3A_75, %mul3A_76 : i32
      %mul3A_78 = arith.constant 1040 : i32
      %mul3A_79 = arith.muli %select_n3A, %mul3A_78 : i32
      %add3A_80 = arith.addi %mul3A_79, %mul3A_77 : i32
      %add3A_81 = arith.constant 0 : i32
      %add3A_82 = arith.addi %add3A_80, %add3A_81 : i32
      %get3A = arith.index_cast %add3A_82 : i32 to index
      %get3A_83 = tpu.vector_load %arg11[%get3A] {strides = array<i32>} : memref<9360xf32, #tpu.memory_space<vmem>>, vector<16xf32>,
      %add3A_84 = arith.constant 65 : i32
      %add3A_85 = arith.addi %add3A_80, %add3A_84 : i32
      %get3A_86 = arith.index_cast %add3A_85 : i32 to index
      %get3A_87 = tpu.vector_load %arg11[%get3A_86] {strides = array<i32>} : memref<9360xf32, #tpu.memory_space<vmem>>, vector<16xf32>,
      %add3A_88 = arith.constant 130 : i32
      %add3A_89 = arith.addi %add3A_80, %add3A_88 : i32
      %get3A_90 = arith.index_cast %add3A_89 : i32 to index
      %get3A_91 = tpu.vector_load %arg11[%get3A_90] {strides = array<i32>} : memref<9360xf32, #tpu.memory_space<vmem>>, vector<16xf32>,
      %add3A_92 = arith.constant 195 : i32
      %add3A_93 = arith.addi %add3A_80, %add3A_92 : i32
      %get3A_94 = arith.index_cast %add3A_93 : i32 to index
      %get3A_95 = tpu.vector_load %arg11[%get3A_94] {strides = array<i32>} : memref<9360xf32, #tpu.memory_space<vmem>>, vector<16xf32>,
      %add3A_96 = arith.constant 260 : i32
      %add3A_97 = arith.addi %add3A_80, %add3A_96 : i32
      %get3A_98 = arith.index_cast %add3A_97 : i32 to index
      %get3A_99 = tpu.vector_load %arg11[%get3A_98] {strides = array<i32>} : memref<9360xf32, #tpu.memory_space<vmem>>, vector<16xf32>,
      %add3A_100 = arith.constant 325 : i32
      %add3A_101 = arith.addi %add3A_80, %add3A_100 : i32
      %get3A_102 = arith.index_cast %add3A_101 : i32 to index
      %get3A_103 = tpu.vector_load %arg11[%get3A_102] {strides = array<i32>} : memref<9360xf32, #tpu.memory_space<vmem>>, vector<16xf32>,
      %add3A_104 = arith.constant 390 : i32
      %add3A_105 = arith.addi %add3A_80, %add3A_104 : i32
      %get3A_106 = arith.index_cast %add3A_105 : i32 to index
      %get3A_107 = tpu.vector_load %arg11[%get3A_106] {strides = array<i32>} : memref<9360xf32, #tpu.memory_space<vmem>>, vector<16xf32>,
      %add3A_108 = arith.constant 455 : i32
      %add3A_109 = arith.addi %add3A_80, %add3A_108 : i32
      %get3A_110 = arith.index_cast %add3A_109 : i32 to index
      %get3A_111 = tpu.vector_load %arg11[%get3A_110] {strides = array<i32>} : memref<9360xf32, #tpu.memory_space<vmem>>, vector<16xf32>,
      %add3A_112 = arith.constant 520 : i32
      %add3A_113 = arith.addi %add3A_80, %add3A_112 : i32
      %get3A_114 = arith.index_cast %add3A_113 : i32 to index
      %get3A_115 = tpu.vector_load %arg11[%get3A_114] {strides = array<i32>} : memref<9360xf32, #tpu.memory_space<vmem>>, vector<16xf32>,
      %add3A_116 = arith.constant 585 : i32
      %add3A_117 = arith.addi %add3A_80, %add3A_116 : i32
      %get3A_118 = arith.index_cast %add3A_117 : i32 to index
      %get3A_119 = tpu.vector_load %arg11[%get3A_118] {strides = array<i32>} : memref<9360xf32, #tpu.memory_space<vmem>>, vector<16xf32>,
      %add3A_120 = arith.constant 650 : i32
      %add3A_121 = arith.addi %add3A_80, %add3A_120 : i32
      %get3A_122 = arith.index_cast %add3A_121 : i32 to index
      %get3A_123 = tpu.vector_load %arg11[%get3A_122] {strides = array<i32>} : memref<9360xf32, #tpu.memory_space<vmem>>, vector<16xf32>,
      %add3A_124 = arith.constant 715 : i32
      %add3A_125 = arith.addi %add3A_80, %add3A_124 : i32
      %get3A_126 = arith.index_cast %add3A_125 : i32 to index
      %get3A_127 = tpu.vector_load %arg11[%get3A_126] {strides = array<i32>} : memref<9360xf32, #tpu.memory_space<vmem>>, vector<16xf32>,
      %add3A_128 = arith.constant 780 : i32
      %add3A_129 = arith.addi %add3A_80, %add3A_128 : i32
      %get3A_130 = arith.index_cast %add3A_129 : i32 to index
      %get3A_131 = tpu.vector_load %arg11[%get3A_130] {strides = array<i32>} : memref<9360xf32, #tpu.memory_space<vmem>>, vector<16xf32>,
      %add3A_132 = arith.constant 845 : i32
      %add3A_133 = arith.addi %add3A_80, %add3A_132 : i32
      %get3A_134 = arith.index_cast %add3A_133 : i32 to index
      %get3A_135 = tpu.vector_load %arg11[%get3A_134] {strides = array<i32>} : memref<9360xf32, #tpu.memory_space<vmem>>, vector<16xf32>,
      %add3A_136 = arith.constant 910 : i32
      %add3A_137 = arith.addi %add3A_80, %add3A_136 : i32
      %get3A_138 = arith.index_cast %add3A_137 : i32 to index
      %get3A_139 = tpu.vector_load %arg11[%get3A_138] {strides = array<i32>} : memref<9360xf32, #tpu.memory_space<vmem>>, vector<16xf32>,
      %add3A_140 = arith.constant 975 : i32
      %add3A_141 = arith.addi %add3A_80, %add3A_140 : i32
      %get3A_142 = arith.index_cast %add3A_141 : i32 to index
      %get3A_143 = tpu.vector_load %arg11[%get3A_142] {strides = array<i32>} : memref<9360xf32, #tpu.memory_space<vmem>>, vector<16xf32>,
      %add3A_144 = arith.constant 0 : i32
      %add3A_145 = arith.addi %add3A_80, %add3A_144 : i32
      %get3A_146 = arith.index_cast %add3A_145 : i32 to index
      %get3A_147 = tpu.vector_load %arg12[%get3A_146] {strides = array<i32>} : memref<9360xf32, #tpu.memory_space<vmem>>, vector<16xf32>,
      %add3A_148 = arith.constant 65 : i32
      %add3A_149 = arith.addi %add3A_80, %add3A_148 : i32
      %get3A_150 = arith.index_cast %add3A_149 : i32 to index
      %get3A_151 = tpu.vector_load %arg12[%get3A_150] {strides = array<i32>} : memref<9360xf32, #tpu.memory_space<vmem>>, vector<16xf32>,
      %add3A_152 = arith.constant 130 : i32
      %add3A_153 = arith.addi %add3A_80, %add3A_152 : i32
      %get3A_154 = arith.index_cast %add3A_153 : i32 to index
      %get3A_155 = tpu.vector_load %arg12[%get3A_154] {strides = array<i32>} : memref<9360xf32, #tpu.memory_space<vmem>>, vector<16xf32>,
      %add3A_156 = arith.constant 195 : i32
      %add3A_157 = arith.addi %add3A_80, %add3A_156 : i32
      %get3A_158 = arith.index_cast %add3A_157 : i32 to index
      %get3A_159 = tpu.vector_load %arg12[%get3A_158] {strides = array<i32>} : memref<9360xf32, #tpu.memory_space<vmem>>, vector<16xf32>,
      %add3A_160 = arith.constant 260 : i32
      %add3A_161 = arith.addi %add3A_80, %add3A_160 : i32
      %get3A_162 = arith.index_cast %add3A_161 : i32 to index
      %get3A_163 = tpu.vector_load %arg12[%get3A_162] {strides = array<i32>} : memref<9360xf32, #tpu.memory_space<vmem>>, vector<16xf32>,
      %add3A_164 = arith.constant 325 : i32
      %add3A_165 = arith.addi %add3A_80, %add3A_164 : i32
      %get3A_166 = arith.index_cast %add3A_165 : i32 to index
      %get3A_167 = tpu.vector_load %arg12[%get3A_166] {strides = array<i32>} : memref<9360xf32, #tpu.memory_space<vmem>>, vector<16xf32>,
      %add3A_168 = arith.constant 390 : i32
      %add3A_169 = arith.addi %add3A_80, %add3A_168 : i32
      %get3A_170 = arith.index_cast %add3A_169 : i32 to index
      %get3A_171 = tpu.vector_load %arg12[%get3A_170] {strides = array<i32>} : memref<9360xf32, #tpu.memory_space<vmem>>, vector<16xf32>,
      %add3A_172 = arith.constant 455 : i32
      %add3A_173 = arith.addi %add3A_80, %add3A_172 : i32
      %get3A_174 = arith.index_cast %add3A_173 : i32 to index
      %get3A_175 = tpu.vector_load %arg12[%get3A_174] {strides = array<i32>} : memref<9360xf32, #tpu.memory_space<vmem>>, vector<16xf32>,
      %add3A_176 = arith.constant 520 : i32
      %add3A_177 = arith.addi %add3A_80, %add3A_176 : i32
      %get3A_178 = arith.index_cast %add3A_177 : i32 to index
      %get3A_179 = tpu.vector_load %arg12[%get3A_178] {strides = array<i32>} : memref<9360xf32, #tpu.memory_space<vmem>>, vector<16xf32>,
      %add3A_180 = arith.constant 585 : i32
      %add3A_181 = arith.addi %add3A_80, %add3A_180 : i32
      %get3A_182 = arith.index_cast %add3A_181 : i32 to index
      %get3A_183 = tpu.vector_load %arg12[%get3A_182] {strides = array<i32>} : memref<9360xf32, #tpu.memory_space<vmem>>, vector<16xf32>,
      %add3A_184 = arith.constant 650 : i32
      %add3A_185 = arith.addi %add3A_80, %add3A_184 : i32
      %get3A_186 = arith.index_cast %add3A_185 : i32 to index
      %get3A_187 = tpu.vector_load %arg12[%get3A_186] {strides = array<i32>} : memref<9360xf32, #tpu.memory_space<vmem>>, vector<16xf32>,
      %add3A_188 = arith.constant 715 : i32
      %add3A_189 = arith.addi %add3A_80, %add3A_188 : i32
      %get3A_190 = arith.index_cast %add3A_189 : i32 to index
      %get3A_191 = tpu.vector_load %arg12[%get3A_190] {strides = array<i32>} : memref<9360xf32, #tpu.memory_space<vmem>>, vector<16xf32>,
      %add3A_192 = arith.constant 780 : i32
      %add3A_193 = arith.addi %add3A_80, %add3A_192 : i32
      %get3A_194 = arith.index_cast %add3A_193 : i32 to index
      %get3A_195 = tpu.vector_load %arg12[%get3A_194] {strides = array<i32>} : memref<9360xf32, #tpu.memory_space<vmem>>, vector<16xf32>,
      %add3A_196 = arith.constant 845 : i32
      %add3A_197 = arith.addi %add3A_80, %add3A_196 : i32
      %get3A_198 = arith.index_cast %add3A_197 : i32 to index
      %get3A_199 = tpu.vector_load %arg12[%get3A_198] {strides = array<i32>} : memref<9360xf32, #tpu.memory_space<vmem>>, vector<16xf32>,
      %add3A_200 = arith.constant 910 : i32
      %add3A_201 = arith.addi %add3A_80, %add3A_200 : i32
      %get3A_202 = arith.index_cast %add3A_201 : i32 to index
      %get3A_203 = tpu.vector_load %arg12[%get3A_202] {strides = array<i32>} : memref<9360xf32, #tpu.memory_space<vmem>>, vector<16xf32>,
      %add3A_204 = arith.constant 975 : i32
      %add3A_205 = arith.addi %add3A_80, %add3A_204 : i32
      %get3A_206 = arith.index_cast %add3A_205 : i32 to index
      %get3A_207 = tpu.vector_load %arg12[%get3A_206] {strides = array<i32>} : memref<9360xf32, #tpu.memory_space<vmem>>, vector<16xf32>,
      %add3A_208 = arith.addf %get3A_83, %get3A_87 : vector<16xf32>
      %add3A_209 = arith.addf %get3A_147, %get3A_151 : vector<16xf32>
      %add3A_210 = arith.addf %add3A_208, %get3A_91 : vector<16xf32>
      %add3A_211 = arith.addf %add3A_209, %get3A_155 : vector<16xf32>
      %add3A_212 = arith.addf %add3A_210, %get3A_95 : vector<16xf32>
      %add3A_213 = arith.addf %add3A_211, %get3A_159 : vector<16xf32>
      %add3A_214 = arith.addf %add3A_212, %get3A_99 : vector<16xf32>
      %add3A_215 = arith.addf %add3A_213, %get3A_163 : vector<16xf32>
      %add3A_216 = arith.addf %add3A_214, %get3A_103 : vector<16xf32>
      %add3A_217 = arith.addf %add3A_215, %get3A_167 : vector<16xf32>
      %add3A_218 = arith.addf %add3A_216, %get3A_107 : vector<16xf32>
      %add3A_219 = arith.addf %add3A_217, %get3A_171 : vector<16xf32>
      %add3A_220 = arith.addf %add3A_218, %get3A_111 : vector<16xf32>
      %add3A_221 = arith.addf %add3A_219, %get3A_175 : vector<16xf32>
      %add3A_222 = arith.addf %add3A_220, %get3A_115 : vector<16xf32>
      %add3A_223 = arith.addf %add3A_221, %get3A_179 : vector<16xf32>
      %add3A_224 = arith.addf %add3A_222, %get3A_119 : vector<16xf32>
      %add3A_225 = arith.addf %add3A_223, %get3A_183 : vector<16xf32>
      %add3A_226 = arith.addf %add3A_224, %get3A_123 : vector<16xf32>
      %add3A_227 = arith.addf %add3A_225, %get3A_187 : vector<16xf32>
      %add3A_228 = arith.addf %add3A_226, %get3A_127 : vector<16xf32>
      %add3A_229 = arith.addf %add3A_227, %get3A_191 : vector<16xf32>
      %add3A_230 = arith.addf %add3A_228, %get3A_131 : vector<16xf32>
      %add3A_231 = arith.addf %add3A_229, %get3A_195 : vector<16xf32>
      %add3A_232 = arith.addf %add3A_230, %get3A_135 : vector<16xf32>
      %add3A_233 = arith.addf %add3A_231, %get3A_199 : vector<16xf32>
      %add3A_234 = arith.addf %add3A_232, %get3A_139 : vector<16xf32>
      %add3A_235 = arith.addf %add3A_233, %get3A_203 : vector<16xf32>
      %add3A_236 = arith.addf %add3A_234, %get3A_143 : vector<16xf32>
      %add3A_237 = arith.addf %add3A_235, %get3A_207 : vector<16xf32>
      %swap3A = arith.index_cast %select_n3A : i32 to index
      %swap3A_238 = arith.index_cast %mul3A_77 : i32 to index
      %swap3A_239 = tpu.vector_load %arg13[%swap3A, %swap3A_238] {strides = array<i32>} : memref<16x64xf32, #tpu.memory_space<vmem>>, vector<16xf32>,
      tpu.vector_store %arg13[%swap3A, %swap3A_238], %add3A_236 {strides = array<i32>} : memref<16x64xf32, #tpu.memory_space<vmem>>, vector<16xf32>,
      %add3A_240 = arith.constant 8 : i32
      %add3A_241 = arith.addi %add3A_240, %select_n3A : i32
      %swap3A_242 = arith.index_cast %add3A_241 : i32 to index
      %swap3A_243 = arith.index_cast %mul3A_77 : i32 to index
      %swap3A_244 = tpu.vector_load %arg13[%swap3A_242, %swap3A_243] {strides = array<i32>} : memref<16x64xf32, #tpu.memory_space<vmem>>, vector<16xf32>,
      tpu.vector_store %arg13[%swap3A_242, %swap3A_243], %add3A_237 {strides = array<i32>} : memref<16x64xf32, #tpu.memory_space<vmem>>, vector<16xf32>,
    }
    %scan3A_40 = arith.constant 32 : i32
    %mul3A_41 = arith.constant 2 : i32
    %mul3A_42 = arith.muli %add3A, %mul3A_41 : i32
    %mul3A_43 = arith.constant 8 : i32
    %mul3A_44 = arith.muli %mul3A_42, %mul3A_43 : i32
    "tpu.region"() ({
      %run_scoped3A = tpu.sem_alloc : memref<!tpu.dma_semaphore, #tpu.memory_space<semaphore_mem>>
      %dma_start3A_45 = arith.constant 0 : i32
      %dma_start3A_46 = tpu.memref_slice %arg4[%mul3A_44, %dma_start3A_45] : memref<512x64xf32, #tpu.memory_space<hbm>> -> memref<16x64xf32, #tpu.memory_space<hbm>>
      %dma_start3A_47 = arith.constant 0 : i32
      %dma_start3A_48 = tpu.memref_slice %arg4[%mul3A_44, %dma_start3A_47] : memref<512x64xf32, #tpu.memory_space<hbm>> -> memref<16x64xf32, #tpu.memory_space<hbm>>
      tpu.enqueue_dma source(%arg13 : memref<16x64xf32, #tpu.memory_space<vmem>>) target(%dma_start3A_48 : memref<16x64xf32, #tpu.memory_space<hbm>>) target_semaphore(%run_scoped3A : memref<!tpu.dma_semaphore, #tpu.memory_space<semaphore_mem>>)
      %dma_wait3A = arith.constant 0 : i32
      %dma_wait3A_49 = tpu.memref_slice %arg4[%mul3A_44, %dma_wait3A] : memref<512x64xf32, #tpu.memory_space<hbm>> -> memref<16x64xf32, #tpu.memory_space<hbm>>
      %dma_wait3A_50 = arith.constant 0 : i32
      %dma_wait3A_51 = tpu.memref_slice %arg4[%mul3A_44, %dma_wait3A_50] : memref<512x64xf32, #tpu.memory_space<hbm>> -> memref<16x64xf32, #tpu.memory_space<hbm>>
      tpu.wait_dma2 semaphore(%run_scoped3A : memref<!tpu.dma_semaphore, #tpu.memory_space<semaphore_mem>>) src(%arg13 : memref<16x64xf32, #tpu.memory_space<vmem>>) dst(%dma_wait3A_51 : memref<16x64xf32, #tpu.memory_space<hbm>>)
      tpu.yield
    }) : () -> ()
    return
  }
}

module attributes {stable_mosaic.version = 14 : i64} {
  func.func @_tc_body(%arg0: i32, %arg1: memref<8x8192xf32, #tpu.memory_space<vmem>>, %arg2: memref<2x64x8192xf32, #tpu.memory_space<vmem>>, %arg3: memref<2x8x64xf32, #tpu.memory_space<vmem>>) attributes {dimension_semantics = [#tpu.dimension_semantics<arbitrary>], iteration_bounds = array<i64: 5>, scalar_prefetch = 0 : i64, scratch_operands = 0 : i64, tpu.core_type = #tpu.core_type<tc>, window_params = [{transform_indices = @transform_0, window_bounds = array<i64: 8, 8192>}, {transform_indices = @transform_1, window_bounds = array<i64: 2, 64, 8192>}, {pipeline_mode = #tpu.pipeline_mode<synchronous>, transform_indices = @transform_2, window_bounds = array<i64: 2, 8, 64>}]} {
    %get3A = arith.constant 0 : index
    %get3A_0 = arith.constant 0 : index
    %get3A_1 = vector.load %arg1[%get3A, %get3A_0] : memref<8x8192xf32, #tpu.memory_space<vmem>>, vector<8x8192xf32>
    %reduce_max3A = arith.constant dense<0xFF800000> : vector<8192xf32>
    %reduce_max3A_2 = vector.multi_reduction <maximumf>, %get3A_1, %reduce_max3A [0] : vector<8x8192xf32> to vector<8192xf32>
    %broadcast_in_dim3A = vector.shape_cast %reduce_max3A_2 : vector<8192xf32> to vector<1x8192xf32>
    %iota3A = tpu.iota {dimensions = array<i32: 0>} : vector<8x8192xi32>
    %eq3A = vector.broadcast %broadcast_in_dim3A : vector<1x8192xf32> to vector<8x8192xf32>
    %eq3A_3 = arith.cmpf oeq, %get3A_1, %eq3A : vector<8x8192xf32>
    %jit3A = arith.constant 8 : i32
    %broadcast_in_dim3A_4 = vector.broadcast %jit3A : i32 to vector<8x8192xi32>
    %select_n3A = arith.select %eq3A_3, %iota3A, %broadcast_in_dim3A_4 : vector<8x8192xi1>, vector<8x8192xi32>
    %reduce_min3A = arith.constant dense<2147483647> : vector<8192xi32>
    %reduce_min3A_5 = vector.multi_reduction <minsi>, %select_n3A, %reduce_min3A [0] : vector<8x8192xi32> to vector<8192xi32>
    %broadcast_in_dim3A_6 = vector.shape_cast %reduce_min3A_5 : vector<8192xi32> to vector<1x8192xi32>
    %mul3A = arith.constant 8192 : i32
    %mul3A_7 = arith.muli %arg0, %mul3A : i32
    %iota3A_8 = tpu.iota {dimensions = array<i32: 1>} : vector<1x8192xi32>
    %add3A = vector.broadcast %mul3A_7 : i32 to vector<1x8192xi32>
    %add3A_9 = arith.addi %add3A, %iota3A_8 : vector<1x8192xi32>
    %eq3A_10 = vector.broadcast %broadcast_in_dim3A_6 : vector<1x8192xi32> to vector<8x8192xi32>
    %eq3A_11 = arith.cmpi eq, %iota3A, %eq3A_10 : vector<8x8192xi32>
    %lt3A = arith.constant 40180 : i32
    %lt3A_12 = vector.broadcast %lt3A : i32 to vector<1x8192xi32>
    %lt3A_13 = arith.cmpi slt, %add3A_9, %lt3A_12 : vector<1x8192xi32>
    %and3A = vector.broadcast %lt3A_13 : vector<1x8192xi1> to vector<8x8192xi1>
    %and3A_14 = arith.andi %eq3A_11, %and3A : vector<8x8192xi1>
    %jit3A_15 = arith.constant 1.000000e+00 : f32
    %jit3A_16 = arith.constant 0.000000e+00 : f32
    %broadcast_in_dim3A_17 = vector.broadcast %jit3A_15 : f32 to vector<8x8192xf32>
    %broadcast_in_dim3A_18 = vector.broadcast %jit3A_16 : f32 to vector<8x8192xf32>
    %select_n3A_19 = arith.select %and3A_14, %broadcast_in_dim3A_17, %broadcast_in_dim3A_18 : vector<8x8192xi1>, vector<8x8192xf32>
    %get3A_20 = arith.constant 0 : index
    %get3A_21 = arith.constant 0 : index
    %get3A_22 = arith.constant 0 : index
    %get3A_23 = vector.load %arg2[%get3A_20, %get3A_21, %get3A_22] : memref<2x64x8192xf32, #tpu.memory_space<vmem>>, vector<2x64x8192xf32>
    %reshape3A = vector.shape_cast %get3A_23 : vector<2x64x8192xf32> to vector<128x8192xf32>
    %dot_general3A = arith.constant dense<0.000000e+00> : vector<8x128xf32>
    %dot_general3A_24 = tpu.matmul %select_n3A_19, %reshape3A, %dot_general3A {dimension_numbers = #tpu.dot_dimension_numbers<[1], [1], [0], [0], [0, 0, 1, 0], [], []>, transpose_lhs_hint = false} : vector<8x8192xf32>, vector<128x8192xf32>, vector<8x128xf32> -> vector<8x128xf32>
    %reshape3A_25 = vector.shape_cast %dot_general3A_24 : vector<8x128xf32> to vector<8x2x64xf32>
    %transpose3A = tpu.transpose %reshape3A_25, [1, 0, 2] : vector<8x2x64xf32> -> vector<2x8x64xf32>
    %eq3A_26 = arith.constant 0 : i32
    %eq3A_27 = arith.cmpi eq, %arg0, %eq3A_26 : i32
    %convert_element_type3A = arith.extui %eq3A_27 : i1 to i32
    %cond3A = arith.constant 0 : i32
    %cond3A_28 = arith.cmpi ne, %convert_element_type3A, %cond3A : i32
    scf.if %cond3A_28 {
      %swap3A = arith.constant 0 : index
      %swap3A_33 = arith.constant 0 : index
      %swap3A_34 = arith.constant 0 : index
      %swap3A_35 = vector.load %arg3[%swap3A, %swap3A_33, %swap3A_34] : memref<2x8x64xf32, #tpu.memory_space<vmem>>, vector<2x8x64xf32>
      tpu.vector_store %arg3[%swap3A, %swap3A_33, %swap3A_34], %transpose3A {strides = array<i32>} : memref<2x8x64xf32, #tpu.memory_space<vmem>>, vector<2x8x64xf32>,
    } else {
    }
    %gt3A = arith.constant 0 : i32
    %gt3A_29 = arith.cmpi sgt, %arg0, %gt3A : i32
    %convert_element_type3A_30 = arith.extui %gt3A_29 : i1 to i32
    %cond3A_31 = arith.constant 0 : i32
    %cond3A_32 = arith.cmpi ne, %convert_element_type3A_30, %cond3A_31 : i32
    scf.if %cond3A_32 {
      %get3A_33 = arith.constant 0 : index
      %get3A_34 = arith.constant 0 : index
      %get3A_35 = arith.constant 0 : index
      %get3A_36 = vector.load %arg3[%get3A_33, %get3A_34, %get3A_35] : memref<2x8x64xf32, #tpu.memory_space<vmem>>, vector<2x8x64xf32>
      %add3A_37 = arith.addf %get3A_36, %transpose3A : vector<2x8x64xf32>
      %swap3A = arith.constant 0 : index
      %swap3A_38 = arith.constant 0 : index
      %swap3A_39 = arith.constant 0 : index
      %swap3A_40 = vector.load %arg3[%swap3A, %swap3A_38, %swap3A_39] : memref<2x8x64xf32, #tpu.memory_space<vmem>>, vector<2x8x64xf32>
      tpu.vector_store %arg3[%swap3A, %swap3A_38, %swap3A_39], %add3A_37 {strides = array<i32>} : memref<2x8x64xf32, #tpu.memory_space<vmem>>, vector<2x8x64xf32>,
    } else {
    }
    return
  }
  func.func @transform_0(%arg0: i32) -> (i32, i32) {
    %c0_i32 = arith.constant 0 : i32
    %c0_i32_0 = arith.constant 0 : i32
    return %c0_i32, %arg0 : i32, i32
  }
  func.func @transform_1(%arg0: i32) -> (i32, i32, i32) {
    %add3A = arith.constant 2 : i32
    %add3A_0 = arith.addi %add3A, %arg0 : i32
    %c0_i32 = arith.constant 0 : i32
    %c0_i32_1 = arith.constant 0 : i32
    %c0_i32_2 = arith.constant 0 : i32
    return %c0_i32, %c0_i32_1, %add3A_0 : i32, i32, i32
  }
  func.func @transform_2(%arg0: i32) -> (i32, i32, i32) {
    %c0_i32 = arith.constant 0 : i32
    %c0_i32_0 = arith.constant 0 : i32
    %c0_i32_1 = arith.constant 0 : i32
    %c0_i32_2 = arith.constant 0 : i32
    return %c0_i32, %c0_i32_0, %c0_i32_1 : i32, i32, i32
  }
}

</mosaic_0001>

<sc_bundles>
// kernel: kernel.4.cloned.1.call-start
scs
__scs_entry_jumppad:
0x0: {  	(pc) =	sbr.rel $0x88, $3  }
0x1: {  	(tag) =	ssettag $0x0;
	lr =	simm.s32 $0x1  }
0x2: {  	[smem:$0x3F9F] =	sst lr;
	_ =	strace $0xD0000000  }
0x3: {  	_ = 	snop  }
0x4: {  	_ = 	snop  }
0x5: {  	_ = 	snop  }
0x6: {  	_ = 	snop  }
0x7: {  	_ = 	snop  }
__scs_overlays_trampoline_lowered:
0x8: {  	[smem:$0x3FAE] =	sst s0  }
0x9: {  	[smem:$0x3FAF] =	sst s1  }
0xa: {  	[smem:$0x3FB0] =	sst s2  }
0xb: {  	[smem:$0x3FB1] =	sst s3  }
0xc: {  	[smem:$0x3FB2] =	sst s4  }
0xd: {  	[smem:$0x3FB3] =	sst s5  }
0xe: {  	[smem:$0x3FB4] =	sst s6  }
0xf: {  	[smem:$0x3FB5] =	sst s7  }
0x10: {  	[smem:$0x3FB6] =	sst s8  }
0x11: {  	[smem:$0x3FB7] =	sst s9;
	s0 =	simm.s32 @!p0 $0x0  }
0x12: {  	s1 =	sld [smem:$0x3F9D];
	s0 =	simm.s32 @p0 $0x1  }
0x13: {  	[smem:$0x3FB8] =	sst s0;
	s0 =	simm.s32 @!p1 $0x0  }
0x14: {  	s2 =	sld [smem:$0x3F9C];
	s0 =	simm.s32 @p1 $0x1  }
0x15: {  	[smem:$0x3FB9] =	sst s0;
	s0 =	simm.s32 @!p2 $0x0  }
0x16: {  	s3 =	sld [smem:$0x3FDB];
	s0 =	simm.s32 @p2 $0x1  }
0x17: {  	s4 =	simm.s32 $0x1BF5;
	[smem:$0x3FBB] =	sst s0  }
0x18: {  	s0 =	sld [smem:$0x3F9E];
	_ =	swait.ge [sflag:s4], $0x0  }
0x19: {  	s7 =	sld [smem:$0x3F9F]  }
0x1a: {  	s8 =	sadd.s32 $0xFFFFE003, lr  }
0x1b: {  	s9 =	sadd.s32 $0xFFFFFEF7, lr;
	s5 =	simm.s32 $0xFFFFFFFF;
	p2 =	slt.u32 s8, $0xFFFFF086  }
0x1c: {  	p1 =	slt.u32 s9, $0xF7A;
	s5 =	simm.s32 @!p2 $0x0  }
0x1d: {  	s5 =	simm.s32 @p1 $0x1;
	p0 =	seq.s32 s7, s2  }
0x1e: {  	s7 =	smul.u32 @!p0 $0xF7A, s2;
	p2 =	seq.s32 @!p0 s5, $0x0  }
0x1f: {  	s9 =	smul.u32 $0xF7A, s1;
	s8 =	simm.s32 @!p0 $0x1BF5;
	p2 =	por !p2, p0  }
0x20: {  	[sflag:s8] =	ssyncset.s32 @!p0 $0xFFFFF086;
	s6 =	sadd.s32 @!p0 s3, s7;
	s7 =	simm.s32 @!p0 $0x108  }
0x21: {  	s3 =	sadd.s32 s3, s9;
	s6 =	sadd.s32 @!p0 $0x88, s6;
	s7 =	simm.s32 @p2 $0x1082  }
0x22: {  	[simem:s7], [sflag:s8] =	dma.local @!p0 [hbm:s6], $0xF7A  }
0x23: {  	s9 =	sor.u32 $0xD0000000, s2;
	s6 =	simm.s32 $0x108;
	_ =	swait.ge @!p0 [sflag:s8], $0x0  }
0x24: {  	s3 =	sadd.s32 $0x88, s3;
	s6 =	simm.s32 @!p1 $0x1082;
	[sflag:s4] =	ssyncset.s32 $0xFFFFF086  }
0x25: {  	[simem:s6], [sflag:s4] =	dma.local [hbm:s3], $0xF7A  }
0x26: {  	[smem:$0x3F9F] =	sst s1;
	(tag) =	ssettag s2;
	_ =	strace s9  }
0x27: {  	s1 =	sld [smem:$0x3FAF]  }
0x28: {  	s2 =	sld [smem:$0x3FB0]  }
0x29: {  	s4 =	sld [smem:$0x3FB2]  }
0x2a: {  	p0 =	seq.s32 s5, $0x0;
	s5 =	sld [smem:$0x3FB3]  }
0x2b: {  	s6 =	sld [smem:$0x3FB4]  }
0x2c: {  	s7 =	sld [smem:$0x3FB5]  }
0x2d: {  	s3 =	simm.s32 $0x108;
	s8 =	sld [smem:$0x3FB6]  }
0x2e: {  	s3 =	simm.s32 @!p0 $0x1082;
	s9 =	sld [smem:$0x3FB7]  }
0x2f: {  	lr =	sadd.s32 s0, s3;
	s0 =	sld [smem:$0x3FAE]  }
0x30: {  	s3 =	sld [smem:$0x3FB1]  }
0x31: {  	[smem:$0x3FBA] =	sst s10  }
0x32: {  	s10 =	sld [smem:$0x3FB8];
	_ =	sdelay $0x3  }
0x33: {  	p0 =	seq.s32 s10, $0x1;
	s10 =	sld [smem:$0x3FBA];
	_ =	sdelay $0x3  }
0x34: {  	[smem:$0x3FBA] =	sst s10  }
0x35: {  	s10 =	sld [smem:$0x3FB9];
	_ =	sdelay $0x3  }
0x36: {  	p1 =	seq.s32 s10, $0x1;
	s10 =	sld [smem:$0x3FBA];
	_ =	sdelay $0x3  }
0x37: {  	[smem:$0x3FBA] =	sst s10  }
0x38: {  	s10 =	sld [smem:$0x3FBB]  }
0x39: {  	_ = 	snop;
	(pc) =	sbr.ind lr, $3  }
0x3a: {  	_ = 	snop  }
0x3b: {  	_ = 	snop  }
0x3c: {  	p2 =	seq.s32 s10, $0x1;
	s10 =	sld [smem:$0x3FBA]  }
0x3d: {  	_ =	shalt  }
0x3e: {  	_ =	shalt  }
0x3f: {  	_ =	shalt  }
0x40: {  	_ =	shalt  }
0x41: {  	_ =	shalt  }
0x42: {  	_ =	shalt  }
0x43: {  	_ =	shalt  }
0x44: {  	_ =	shalt  }
0x45: {  	_ =	shalt  }
0x46: {  	_ =	shalt  }
0x47: {  	_ =	shalt  }
0x48: {  	_ =	shalt  }
0x49: {  	_ =	shalt  }
0x4a: {  	_ =	shalt  }
0x4b: {  	_ =	shalt  }
0x4c: {  	_ =	shalt  }
0x4d: {  	_ =	shalt  }
0x4e: {  	_ =	shalt  }
0x4f: {  	_ =	shalt  }
0x50: {  	_ =	shalt  }
0x51: {  	_ =	shalt  }
0x52: {  	_ =	shalt  }
0x53: {  	_ =	shalt  }
0x54: {  	_ =	shalt  }
0x55: {  	_ =	shalt  }
0x56: {  	_ =	shalt  }
0x57: {  	_ =	shalt  }
0x58: {  	_ =	shalt  }
0x59: {  	_ =	shalt  }
0x5a: {  	_ =	shalt  }
0x5b: {  	_ =	shalt  }
0x5c: {  	_ =	shalt  }
0x5d: {  	_ =	shalt  }
0x5e: {  	_ =	shalt  }
0x5f: {  	_ =	shalt  }
0x60: {  	_ =	shalt  }
0x61: {  	_ =	shalt  }
0x62: {  	_ =	shalt  }
0x63: {  	_ =	shalt  }
0x64: {  	_ =	shalt  }
0x65: {  	_ =	shalt  }
0x66: {  	_ =	shalt  }
0x67: {  	_ =	shalt  }
0x68: {  	_ =	shalt  }
0x69: {  	_ =	shalt  }
0x6a: {  	_ =	shalt  }
0x6b: {  	_ =	shalt  }
0x6c: {  	_ =	shalt  }
0x6d: {  	_ =	shalt  }
0x6e: {  	_ =	shalt  }
0x6f: {  	_ =	shalt  }
0x70: {  	_ =	shalt  }
0x71: {  	_ =	shalt  }
0x72: {  	_ =	shalt  }
0x73: {  	_ =	shalt  }
0x74: {  	_ =	shalt  }
0x75: {  	_ =	shalt  }
0x76: {  	_ =	shalt  }
0x77: {  	_ =	shalt  }
0x78: {  	_ =	shalt  }
0x79: {  	_ =	shalt  }
0x7a: {  	_ =	shalt  }
0x7b: {  	_ =	shalt  }
0x7c: {  	_ =	shalt  }
0x7d: {  	_ =	shalt  }
0x7e: {  	_ =	shalt  }
0x7f: {  	_ =	shalt  }
0x80: {  	_ =	shalt  }
0x81: {  	_ =	shalt  }
0x82: {  	_ =	shalt  }
0x83: {  	_ =	shalt  }
0x84: {  	_ =	shalt  }
0x85: {  	_ =	shalt  }
0x86: {  	_ =	shalt  }
0x87: {  	_ =	shalt  }
.Lfunc_end0:
.L_simem_size_0:
called_computation_lowered:
.L_overlay_start_0:
0x88: {  	s2 =	sld [smem:$0x3FD9]  }
0x89: {  	s3 =	sld [smem:$0x3FFE];
	_ =	sdelay $0x1  }
0x8a: {  	s1 =	srdreg.scid  }
0x8b: {  	s0 =	sand.u32 $0x1, s1  }
0x8c: {  	s17 =	sshll.u32 s0, $0xA;
	s2 =	sadd.s32 s3, s2  }
0x8d: {  	s2 =	sadd.s32 s2, s17  }
0x8e: {  	[smem:$0x3FC6] =	sst s2  }
0x8f: {  	_ = 	snop  }
0x90: {  	s2 =	sld [smem:$0x3FC9];
	(tm) =	ssettm $0x1  }
0x91: {  	s18 =	sld [smem:$0x3FFB];
	_ =	sdelay $0x3  }
0x92: {  	_ =	strace s18  }
0x93: {  	s3 =	sld [smem:$0x3FFC];
	_ =	sdelay $0x3  }
0x94: {  	_ =	strace s3  }
0x95: {  	s3 =	sld [smem:$0x3FFD];
	_ =	sdelay $0x3  }
0x96: {  	_ =	strace s3  }
0x97: {  	_ =	strace $0x8FFFFFFF  }
0x98: {  	s19 =	sld [smem:$0x3FDB];
	_ =	sdelay $0x1  }
0x99: {  	s4 =	simm.s32 $_scs_section_size  }
0x9a: {  	s5 =	simm.s32 $_size__tile_overlayer_lowered;
	s6 =	simm.s32 $_tile_overlayer_lowered  }
0x9b: {  	s22 =	simm.s32 $0x1BFF;
	s21 =	sshll.u32 s6, $0x1;
	s3 =	sadd.s32 s4, s19  }
0x9c: {  	s7 =	simm.s32 $0x0;
	s20 =	sshll.u32 s5, $0x1;
	s5 =	sadd.s32 s21, s3  }
0x9d: {  	[timem:s7], [sflag:s22] =	dma.local [hbm:s5], s20  }
0x9e: {  	_ =	swait.ge [sflag:s22], s20  }
0x9f: {  	s4 =	ssub.s32 $0x0, s20;
	[sflag:s22] =	ssyncset.done $0x0  }
0xa0: {  	[sflag:s22] =	ssyncadd.s32 s4;
	_ =	sdelay $0x1  }
0xa1: {  	s23 =	simm.s32 $0x1B8B  }
0xa2: {  	_ =	swait.ge [sflag:s23], $0x1  }
0xa3: {  	[sflag:s23] =	ssyncset.done $0x0  }
0xa4: {  	s25 =	simm.s32 $0x1B8E;
	s24 =	sld [smem:$0x3FFE];
	[sflag:s23] =	ssyncadd.s32 $0xFFFFFFFF  }
0xa5: {  	s26 =	simm.s32 $execute0_lowered;
	[smem:$0x3FD2] =	sst s25  }
0xa6: {  	s5 =	sshll.u32 s26, $0x1;
	_ =	strace $0x80000046;
	[dreg:$0x1] =	wrdreg $0xFFFFFFFF  }
0xa7: {  	s28 =	simm.s32 $_size_execute0_lowered;
	s3 =	sadd.s32 s3, s5;
	[dreg:$0x0] =	wrdreg $0x0  }
0xa8: {  	s5 =	sshll.u32 s28, $0x1;
	[dreg:$0x2] =	wrdreg s3  }
0xa9: {  	[dreg:$0x3] =	wrdreg s5  }
0xaa: {  	[dreg:$0x4] =	wrdreg $0xC0  }
0xab: {  	_ =	task [dreg:s7], $0x5FFFF  }
0xac: {  	[dreg:$0x1] =	wrdreg $0xFFFFFFFF  }
0xad: {  	[dreg:$0x0] =	wrdreg $0x60  }
0xae: {  	[dreg:$0x2] =	wrdreg s24  }
0xaf: {  	[dreg:$0x3] =	wrdreg s2  }
0xb0: {  	[dreg:$0x4] =	wrdreg $0x9  }
0xb1: {  	_ =	task.clear_ibuf [dreg:s7], $0x5FFFF;
	_ =	strace $0x90000046  }
0xb2: {  	s29 =	simm.s32 $0x9;
	_ =	strace $0x80000048  }
0xb3: {  	_ =	swait.ge [sflag:s29], $0x1  }
0xb4: {  	[sflag:s29] =	ssyncadd.s32 $0xFFFFFFFF  }
0xb5: {  	_ =	strace $0x90000048  }
0xb6: {  	_ =	sfence  }
0xb7: {  	s30 =	sld [smem:$0x0];
	_ =	sdelay $0x2  }
0xb8: {  	s31 =	sshll.u32 s1, $0xD;
	s1 =	sshrl.u32 s1, $0x2  }
0xb9: {  	s3 =	sand.u32 $0x4000, s31;
	s1 =	sadd.s32 s1, s30  }
0xba: {  	s0 =	sor.u32 s3, s0;
	s1 =	sshll.u32 s1, $0x11  }
0xbb: {  	s0 =	sor.u32 s1, s0  }
0xbc: {  	s0 =	sadd.s32 $0x8F2B, s0  }
0xbd: {  	[sflag:s0] =	ssyncadd.remote.s32 $0x1  }
0xbe: {  	_ =	sfence.sel $0xFFFF  }
0xbf: {  	[dreg:$0x0] =	wrdreg $0xFFFFFFFF;
	(pc) =	sbr.abs _section_cstart, $3  }
0xc0: {  	[dreg:$0x1] =	wrdreg $0xFFFFFFFF  }
0xc1: {  	_ =	task.clear_ibuf [dreg:s7], $0x2FFFF;
	_ =	strace $0x9FFFFFFF  }
0xc2: {  	(tm) =	ssettm $0x7FFFFFFF  }
0xc3: {  	_ =	shalt  }
tec
execute0_lowered:
.L_overlay_start_1:
0x0: {  	(tag) =	ssettag $0x1  }
0x1: {  	s0 =	rddreg [dreg:$0x0]  }
0x2: {  	s2 =	rddreg [dreg:$0x1]  }
0x3: {  	s1 =	srdreg.scid;
	s3 =	stileid.u32  }
0x4: {  	s4 =	simm.s32 $0x0;
	s14 =	simm.s32 $0x6E800;
	s15 =	simm.s32 $0x400  }
0x5: {  	s17 =	simm.s32 $0x1;
	s18 =	simm.s32 $0x4400;
	s19 =	simm.s32 $0x4800  }
0x6: {  	s20 =	simm.s32 $0x6800;
	s21 =	simm.s32 $0x8800;
	s22 =	simm.s32 $0xAD00  }
0x7: {  	s23 =	simm.s32 $0x2;
	s25 =	simm.s32 $0x3;
	s26 =	simm.s32 $0x0  }
0x8: {  	s1 =	sand.u32 $0x1, s1;
	s3 =	sshll.u32 s3, $0x1;
	[smem:$0x7FF] =	sst s4  }
0x9: {  	s4 =	sadd.s32 $0x400, s0;
	s3 =	sor.u32 s1, s3;
	s1 =	ssub.s32 $0x2, s1  }
0xa: {  	v0 =	vlaneseq.u32;
	_ =	strace $0x80000047;
	s5 =	sshll.u32 s3, $0x8;
	s6 =	sshrl.u32 s1, $0x1  }
0xb: {  	v0 =	vmul.u32 $0x41, v0;
	s0 =	sadd.s32 s5, s0;
	s5 =	sshll.u32 s3, $0xA;
	s3 =	sshll.u32 s3, $0x7  }
0xc: {  	s1 =	ssub.s32 s1, s6;
	s7 =	sshrl.u32 s5, $0x3;
	s6 =	sadd.s32 s4, s3  }
0xd: {  	v1 =	vimm.f32 $0.0e+00;
	v2 =	vadd.s32 $0x1C70, v0;
	s12 =	sadd.s32 $0x4400, s0;
	s13 =	smax.u32 s1, $0x1;
	s8 =	sadd.s32 s2, s7  }
0xe: {  	v3 =	vadd.s32 $0x1860, v0;
	v4 =	vadd.s32 $0x1450, v0;
	v5 =	vadd.s32 $0x1040, v0;
	s7 =	sadd.s32 s2, s3;
	s3 =	sor.u32 $0x2000, s3;
	s8 =	sadd.s32 $0x6E800, s8  }
0xf: {  	v6 =	vadd.s32 $0xC30, v0;
	v7 =	vadd.s32 $0x820, v0;
	v8 =	vadd.s32 $0x410, v0;
	s9 =	sadd.s32 s4, s3;
	s10 =	sadd.s32 s2, s3;
	s11 =	sadd.s32 $0x70800, s7  }
.LBB2_1:
0x10: {  	s0 =	simm.s32 $0x0;
	s1 =	simm.s32 $0x104  }
.LBB2_2:
0x11: {  	p0 =	sne.s32 s1, $0x913C;
	[tilespmem:s0+$0xAD30] =	vst v1  }
0x12: {  	[tilespmem:s0+$0x8800] =	vst v1  }
0x13: {  	[tilespmem:s0+$0xAD00] =	vst v1  }
.Ltmp0:
0x14: {  	[tilespmem:s0+$0x8810] =	vst v1;
	(pc) =	sbr.rel @p0 .LBB2_2-.Ltmp0, $4  }
0x15: {  	[tilespmem:s0+$0xAD10] =	vst v1  }
0x16: {  	[tilespmem:s0+$0x8820] =	vst v1  }
0x17: {  	[tilespmem:s0+$0xAD20] =	vst v1  }
0x18: {  	[tilespmem:s0+$0x8830] =	vst v1;
	s0 =	sshra.s32 s1, $0x2;
	s1 =	sadd.s32 $0x104, s1  }
0x19: {  	[tilespmem:s0+$0xAD30] =	vst v1  }
0x1a: {  	[tilespmem:s0+$0x8800] =	vst v1  }
0x1b: {  	[tilespmem:s0+$0xAD00] =	vst v1  }
0x1c: {  	[tilespmem:s0+$0x8810] =	vst v1  }
0x1d: {  	[tilespmem:s0+$0xAD10] =	vst v1  }
0x1e: {  	[tilespmem:s0+$0x8820] =	vst v1  }
0x1f: {  	[tilespmem:s0+$0xAD20] =	vst v1  }
0x20: {  	[tilespmem:s0+$0x8830] =	vst v1;
	s28 =	simm.s32 $0x0  }
0x21: {  	[tilespmem:s28], [sflag:$0x1] =	stream.linear.gather [hbm4b:s6+s28], $0x400, $0x38;
	[tilespmem:$0xDA00] =	vst v63  }
0x22: {  	_ = 	snop  }
0x23: {  	[tilespmem:s15], [sflag:$0x1] =	stream.strided.gather [hbm4b:s7+s15], $0x2000, s14, s15, $0x38;
	[tilespmem:$0xDA00] =	vst v63  }
0x24: {  	s31 =	simm.s32 $0x2400;
	p1 =	por $0x1, $0x1;
	s0 =	simm.s32 $0x0  }
0x25: {  	[tilespmem:s31], [sflag:$0x1] =	stream.strided.gather [hbm4b:s8+s15], $0x2000, s14, s15, $0x38;
	[tilespmem:$0xDA00] =	vst v63  }
.LBB2_4:
0x26: {  	_ =	swait.ge [sflag:s17], $0x400  }
0x27: {  	[sflag:s17] =	ssyncset.done $0x0  }
0x28: {  	[sflag:s17] =	ssyncadd.s32 $0xFFFFFC00  }
0x29: {  	_ =	swait.ge [sflag:s17], $0x2000  }
0x2a: {  	[sflag:s17] =	ssyncset.done $0x0  }
0x2b: {  	s0 =	sor.u32 s5, s0;
	[sflag:s17] =	ssyncadd.s32 $0xFFFFE000  }
0x2c: {  	s0 =	sshrl.u32 s0, $0x3;
	_ =	swait.ge [sflag:s17], $0x2000  }
0x2d: {  	s1 =	sor.u32 $0x1000, s0;
	[sflag:s17] =	ssyncset.done $0x0  }
0x2e: {  	s3 =	sadd.s32 s4, s1;
	[sflag:s17] =	ssyncadd.s32 $0xFFFFE000  }
0x2f: {  	[tilespmem:s18], [sflag:$0x2] =	stream.linear.gather [hbm4b:s3+s28], $0x400, $0x38;
	[tilespmem:$0xDA00] =	vst v63  }
0x30: {  	s0 =	sadd.s32 s2, s0;
	s1 =	sadd.s32 s2, s1  }
0x31: {  	[tilespmem:s19], [sflag:$0x2] =	stream.strided.gather [hbm4b:s1+s15], $0x2000, s14, s15, $0x38;
	[tilespmem:$0xDA00] =	vst v63  }
0x32: {  	p0 =	por p1, p1;
	s0 =	sadd.s32 $0x6F800, s0  }
0x33: {  	[tilespmem:s20], [sflag:$0x2] =	stream.strided.gather [hbm4b:s0+s15], $0x2000, s14, s15, $0x38;
	[tilespmem:$0xDA00] =	vst v63  }
0x34: {  	s29 =	simm.s32 $0x2500;
	s1 =	simm.s32 $0x0;
	s0 =	simm.s32 $0x500  }
.LBB2_5:
0x35: {  	s3 =	sshll.u32 s1, $0x4  }
0x36: {  	v9 =	vld [tilespmem:s3+$0x0]  }
0x37: {  	v10 =	vld [tilespmem:s3+$0x80]  }
0x38: {  	v11 =	vld [tilespmem:s3+$0x100]  }
0x39: {  	v12 =	vld [tilespmem:s3+$0x180]  }
0x3a: {  	v13 =	vld [tilespmem:s3+$0x200]  }
0x3b: {  	v14 =	vld [tilespmem:s3+$0x280]  }
0x3c: {  	v15 =	vld [tilespmem:s3+$0x300]  }
0x3d: {  	v16 =	vld [tilespmem:s3+$0x380];
	_ =	sdelay $0x3  }
0x3e: {  	v17 =	vmax.f32 v9, v10  }
0x3f: {  	v18 =	vmax.f32 v11, v12;
	v19 =	vmax.f32 v13, v14;
	v16 =	vmax.f32 v15, v16  }
0x40: {  	v17 =	vmax.f32 v17, v18;
	v16 =	vmax.f32 v19, v16  }
0x41: {  	v16 =	vmax.f32 v17, v16  }
0x42: {  	vm0 =	veq.f32 v15, v16  }
0x43: {  	vm1 =	veq.f32 v14, v16;
	v61 =	vsel vm0, v3, v2  }
0x44: {  	vm11 =	veq.f32 v13, v16;
	v62 =	vsel vm1, v4, v61  }
0x45: {  	vm12 =	veq.f32 v12, v16;
	v63 =	vsel vm11, v5, v62  }
0x46: {  	vm13 =	veq.f32 v11, v16;
	v11 =	vsel vm12, v6, v63  }
0x47: {  	vm14 =	veq.f32 v10, v16;
	v10 =	vsel vm13, v7, v11  }
0x48: {  	vm15 =	veq.f32 v9, v16;
	v9 =	vsel vm14, v8, v10  }
0x49: {  	s16 =	simm.s32 $0x3;
	s30 =	simm.s32 $0x4;
	v9 =	vsel vm15, v0, v9  }
0x4a: {  	s24 =	smov.u32 s0;
	s3 =	simm.s32 $0x0;
	v11 =	vld [tilespmem:s0+$0x80];
	v10 =	vadd.s32 s16, v9;
	s16 =	smov.u32 s29  }
.LBB2_6:
0x4b: {  	p1 =	slt.u32 s30, $0x3C;
	v12 =	vld [tilespmem:s16+$0x80]  }
0x4c: {  	v13 =	vld [tilespmem:s24+$0xFFFFFF00]  }
0x4d: {  	v14 =	vld [tilespmem:s16+$0xFFFFFF00]  }
0x4e: {  	s31 =	sadd.s32 $0x1, s3;
	v15 =	vld [tilespmem:s24+$0xFFFFFF80]  }
0x4f: {  	v16 =	vadd.s32 s31, v9;
	[tilespmem:v10+s21+$0x0] =	vst.idx.add.f32.msk $0xffff, v11  }
0x50: {  	v11 =	vadd.s32 s3, v9;
	[tilespmem:v10+s22+$0x0] =	vst.idx.add.f32.msk $0xffff, v12  }
0x51: {  	s31 =	sadd.s32 $0x2, s3;
	s3 =	smov.u32 s30;
	v10 =	vld [tilespmem:s16+$0xFFFFFF80]  }
0x52: {  	v12 =	vadd.s32 s31, v9;
	v17 =	vld [tilespmem:s24+$0x0]  }
0x53: {  	v18 =	vld [tilespmem:s16+$0x0]  }
0x54: {  	[tilespmem:v16+s21+$0x0] =	vst.idx.add.f32.msk $0xffff, v15  }
0x55: {  	[tilespmem:v11+s21+$0x0] =	vst.idx.add.f32.msk $0xffff, v13  }
.Ltmp1:
0x56: {  	[tilespmem:v16+s22+$0x0] =	vst.idx.add.f32.msk $0xffff, v10;
	(pc) =	sbr.rel @p1 .LBB2_6-.Ltmp1, $4  }
0x57: {  	[tilespmem:v12+s21+$0x0] =	vst.idx.add.f32.msk $0xffff, v17  }
0x58: {  	[tilespmem:v12+s22+$0x0] =	vst.idx.add.f32.msk $0xffff, v18  }
0x59: {  	s31 =	sadd.s32 $0x3, s30;
	s24 =	sadd.s32 $0x200, s24;
	[tilespmem:v11+s22+$0x0] =	vst.idx.add.f32.msk $0xffff, v14  }
0x5a: {  	s30 =	sadd.s32 $0x4, s30;
	s16 =	sadd.s32 $0x200, s16;
	v10 =	vadd.s32 s31, v9;
	v11 =	vld [tilespmem:s24+$0x80]  }
0x5b: {  	v12 =	vld [tilespmem:s16+$0x80]  }
0x5c: {  	v13 =	vld [tilespmem:s24+$0xFFFFFF00]  }
0x5d: {  	v14 =	vld [tilespmem:s16+$0xFFFFFF00]  }
0x5e: {  	s30 =	sadd.s32 $0x1, s3;
	v15 =	vld [tilespmem:s24+$0xFFFFFF80]  }
0x5f: {  	v63 =	vld [tilespmem:s24+$0x0];
	v16 =	vadd.s32 s30, v9  }
0x60: {  	s31 =	sadd.s32 $0x2, s3;
	[tilespmem:v10+s21+$0x0] =	vst.idx.add.f32.msk $0xffff, v11;
	v11 =	vadd.s32 s3, v9  }
0x61: {  	v9 =	vadd.s32 s31, v9;
	[tilespmem:v10+s22+$0x0] =	vst.idx.add.f32.msk $0xffff, v12  }
0x62: {  	v10 =	vld [tilespmem:s16+$0xFFFFFF80]  }
0x63: {  	v17 =	vld [tilespmem:s16+$0x0];
	s1 =	sadd.s32 $0x1, s1  }
0x64: {  	p1 =	sne.s32 s1, $0x8;
	[tilespmem:v16+s21+$0x0] =	vst.idx.add.f32.msk $0xffff, v15  }
.Ltmp2:
0x65: {  	[tilespmem:v11+s21+$0x0] =	vst.idx.add.f32.msk $0xffff, v13;
	(pc) =	sbr.rel @p1 .LBB2_5-.Ltmp2, $4  }
0x66: {  	[tilespmem:v9+s21+$0x0] =	vst.idx.add.f32.msk $0xffff, v63  }
0x67: {  	[tilespmem:v16+s22+$0x0] =	vst.idx.add.f32.msk $0xffff, v10  }
0x68: {  	[tilespmem:v9+s22+$0x0] =	vst.idx.add.f32.msk $0xffff, v17  }
0x69: {  	s0 =	sadd.s32 $0x10, s0;
	s29 =	sadd.s32 $0x10, s29;
	[tilespmem:v11+s22+$0x0] =	vst.idx.add.f32.msk $0xffff, v14  }
0x6a: {  	_ =	swait.ge [sflag:s23], $0x400  }
0x6b: {  	[sflag:s23] =	ssyncset.done $0x0  }
0x6c: {  	[sflag:s23] =	ssyncadd.s32 $0xFFFFFC00  }
0x6d: {  	_ =	swait.ge [sflag:s23], $0x2000  }
0x6e: {  	[sflag:s23] =	ssyncset.done $0x0  }
0x6f: {  	[sflag:s23] =	ssyncadd.s32 $0xFFFFE000  }
0x70: {  	_ =	swait.ge [sflag:s23], $0x2000  }
0x71: {  	[sflag:s23] =	ssyncset.done $0x0  }
0x72: {  	s0 =	simm.s32 @p0 $0x0;
	[sflag:s23] =	ssyncadd.s32 $0xFFFFE000  }
0x73: {  	[tilespmem:s0], [sflag:$0x1] =	stream.linear.gather @p0 [hbm4b:s9+s0], $0x400, $0x38;
	[tilespmem:$0xDA00] =	vst v63  }
0x74: {  	s1 =	simm.s32 @p0 $0x400;
	s0 =	simm.s32 @p0 $0x6E800  }
0x75: {  	[tilespmem:s1], [sflag:$0x1] =	stream.strided.gather @p0 [hbm4b:s10+s1], $0x2000, s0, s1, $0x38;
	[tilespmem:$0xDA00] =	vst v63  }
0x76: {  	s3 =	simm.s32 @p0 $0x2400  }
0x77: {  	[tilespmem:s3], [sflag:$0x1] =	stream.strided.gather @p0 [hbm4b:s11+s1], $0x2000, s0, s1, $0x38;
	[tilespmem:$0xDA00] =	vst v63  }
0x78: {  	s29 =	simm.s32 $0x4900;
	s0 =	simm.s32 $0x0;
	s1 =	simm.s32 $0x6900  }
.LBB2_9:
0x79: {  	s3 =	sshll.u32 s0, $0x4  }
0x7a: {  	v9 =	vld [tilespmem:s3+$0x4400]  }
0x7b: {  	v10 =	vld [tilespmem:s3+$0x4480]  }
0x7c: {  	v11 =	vld [tilespmem:s3+$0x4500]  }
0x7d: {  	v12 =	vld [tilespmem:s3+$0x4580]  }
0x7e: {  	v13 =	vld [tilespmem:s3+$0x4600]  }
0x7f: {  	v14 =	vld [tilespmem:s3+$0x4680]  }
0x80: {  	v15 =	vld [tilespmem:s3+$0x4700]  }
0x81: {  	v16 =	vld [tilespmem:s3+$0x4780];
	_ =	sdelay $0x3  }
0x82: {  	v17 =	vmax.f32 v9, v10  }
0x83: {  	v18 =	vmax.f32 v11, v12;
	v19 =	vmax.f32 v13, v14;
	v16 =	vmax.f32 v15, v16  }
0x84: {  	v17 =	vmax.f32 v17, v18;
	v16 =	vmax.f32 v19, v16  }
0x85: {  	v16 =	vmax.f32 v17, v16  }
0x86: {  	vm0 =	veq.f32 v15, v16  }
0x87: {  	vm1 =	veq.f32 v14, v16;
	v61 =	vsel vm0, v3, v2  }
0x88: {  	vm11 =	veq.f32 v13, v16;
	v62 =	vsel vm1, v4, v61  }
0x89: {  	vm12 =	veq.f32 v12, v16;
	v63 =	vsel vm11, v5, v62  }
0x8a: {  	vm13 =	veq.f32 v11, v16;
	v11 =	vsel vm12, v6, v63  }
0x8b: {  	vm14 =	veq.f32 v10, v16;
	v10 =	vsel vm13, v7, v11  }
0x8c: {  	vm15 =	veq.f32 v9, v16;
	v9 =	vsel vm14, v8, v10  }
0x8d: {  	s31 =	simm.s32 $0x3;
	s30 =	simm.s32 $0x4;
	v9 =	vsel vm15, v0, v9  }
0x8e: {  	s16 =	smov.u32 s29;
	s24 =	simm.s32 $0x0;
	s3 =	smov.u32 s1;
	v11 =	vld [tilespmem:s29+$0x80];
	v10 =	vadd.s32 s31, v9  }
.LBB2_10:
0x8f: {  	p1 =	slt.u32 s30, $0x3C;
	v12 =	vld [tilespmem:s3+$0x80]  }
0x90: {  	v13 =	vld [tilespmem:s16+$0xFFFFFF00]  }
0x91: {  	v14 =	vld [tilespmem:s3+$0xFFFFFF00]  }
0x92: {  	s31 =	sadd.s32 $0x1, s24;
	v15 =	vld [tilespmem:s16+$0xFFFFFF80]  }
0x93: {  	v16 =	vadd.s32 s31, v9;
	[tilespmem:v10+s21+$0x0] =	vst.idx.add.f32.msk $0xffff, v11  }
0x94: {  	v11 =	vadd.s32 s24, v9;
	[tilespmem:v10+s22+$0x0] =	vst.idx.add.f32.msk $0xffff, v12  }
0x95: {  	s31 =	sadd.s32 $0x2, s24;
	s24 =	smov.u32 s30;
	v10 =	vld [tilespmem:s3+$0xFFFFFF80]  }
0x96: {  	v12 =	vadd.s32 s31, v9;
	v17 =	vld [tilespmem:s16+$0x0]  }
0x97: {  	v18 =	vld [tilespmem:s3+$0x0]  }
0x98: {  	[tilespmem:v16+s21+$0x0] =	vst.idx.add.f32.msk $0xffff, v15  }
0x99: {  	[tilespmem:v11+s21+$0x0] =	vst.idx.add.f32.msk $0xffff, v13  }
.Ltmp3:
0x9a: {  	[tilespmem:v16+s22+$0x0] =	vst.idx.add.f32.msk $0xffff, v10;
	(pc) =	sbr.rel @p1 .LBB2_10-.Ltmp3, $4  }
0x9b: {  	[tilespmem:v12+s21+$0x0] =	vst.idx.add.f32.msk $0xffff, v17  }
0x9c: {  	[tilespmem:v12+s22+$0x0] =	vst.idx.add.f32.msk $0xffff, v18  }
0x9d: {  	s31 =	sadd.s32 $0x3, s30;
	s16 =	sadd.s32 $0x200, s16;
	[tilespmem:v11+s22+$0x0] =	vst.idx.add.f32.msk $0xffff, v14  }
0x9e: {  	s30 =	sadd.s32 $0x4, s30;
	s3 =	sadd.s32 $0x200, s3;
	v10 =	vadd.s32 s31, v9;
	v11 =	vld [tilespmem:s16+$0x80]  }
0x9f: {  	v12 =	vld [tilespmem:s3+$0x80]  }
0xa0: {  	v13 =	vld [tilespmem:s16+$0xFFFFFF00]  }
0xa1: {  	v14 =	vld [tilespmem:s3+$0xFFFFFF00]  }
0xa2: {  	s30 =	sadd.s32 $0x1, s24;
	v15 =	vld [tilespmem:s16+$0xFFFFFF80]  }
0xa3: {  	v63 =	vld [tilespmem:s16+$0x0];
	v16 =	vadd.s32 s30, v9  }
0xa4: {  	s31 =	sadd.s32 $0x2, s24;
	[tilespmem:v10+s21+$0x0] =	vst.idx.add.f32.msk $0xffff, v11;
	v11 =	vadd.s32 s24, v9  }
0xa5: {  	v9 =	vadd.s32 s31, v9;
	[tilespmem:v10+s22+$0x0] =	vst.idx.add.f32.msk $0xffff, v12  }
0xa6: {  	v10 =	vld [tilespmem:s3+$0xFFFFFF80]  }
0xa7: {  	v17 =	vld [tilespmem:s3+$0x0];
	s0 =	sadd.s32 $0x1, s0  }
0xa8: {  	p1 =	sne.s32 s0, $0x8;
	[tilespmem:v16+s21+$0x0] =	vst.idx.add.f32.msk $0xffff, v15  }
.Ltmp4:
0xa9: {  	[tilespmem:v11+s21+$0x0] =	vst.idx.add.f32.msk $0xffff, v13;
	(pc) =	sbr.rel @p1 .LBB2_9-.Ltmp4, $4  }
0xaa: {  	[tilespmem:v9+s21+$0x0] =	vst.idx.add.f32.msk $0xffff, v63  }
0xab: {  	[tilespmem:v16+s22+$0x0] =	vst.idx.add.f32.msk $0xffff, v10  }
0xac: {  	[tilespmem:v9+s22+$0x0] =	vst.idx.add.f32.msk $0xffff, v17  }
0xad: {  	s29 =	sadd.s32 $0x10, s29;
	s1 =	sadd.s32 $0x10, s1;
	[tilespmem:v11+s22+$0x0] =	vst.idx.add.f32.msk $0xffff, v14  }
.Ltmp5:
0xae: {  	(pc) =	sbr.rel @p0 .LBB2_4-.Ltmp5, $2  }
0xaf: {  	_ =	sdelay $0x2  }
0xb0: {  	s29 =	simm.s32 $0x0;
	s0 =	simm.s32 $0x10000;
	p1 =	por $0x0, $0x0  }
0xb1: {  	s0 =	simm.s32 $0x0  }
0xb2: {  	s0 =	smul.u32 $0x410, s0  }
0xb3: {  	s30 =	sand.u32 $0x30, s29  }
0xb4: {  	s31 =	sadd.s32 s30, s0  }
0xb5: {  	v10 =	vld [tilespmem:s31+$0xAD41]  }
0xb6: {  	v9 =	vld [tilespmem:s31+$0x8841]  }
0xb7: {  	v14 =	vld [tilespmem:s31+$0xAD00]  }
0xb8: {  	v13 =	vld [tilespmem:s31+$0x8800]  }
0xb9: {  	v11 =	vld [tilespmem:s31+$0xAD82]  }
0xba: {  	s28 =	simm.s32 $0x1;
	s16 =	simm.s32 $0x2;
	s0 =	simm.s32 $0x0;
	v12 =	vld [tilespmem:s31+$0x8882]  }
.LBB2_14:
0xbb: {  	s24 =	sshrl.u32 s28, $0x2  }
0xbc: {  	v15 =	vld [tilespmem:s31+$0xADC3];
	s29 =	sadd.s32 $0x10, s29;
	s3 =	smov.u32 s16;
	s1 =	sadd.s32 $0x1, s16  }
0xbd: {  	p0 =	sne.s32 s16, $0x1F;
	s24 =	smul.u32 $0x410, s24;
	v16 =	vld [tilespmem:s31+$0x88C3];
	v10 =	vadd.f32 v10, v14  }
0xbe: {  	s16 =	sand.u32 $0x30, s29;
	v14 =	vld [tilespmem:s31+$0xAE04];
	v9 =	vadd.f32 v9, v13  }
0xbf: {  	s24 =	sadd.s32 s16, s24;
	v13 =	vld [tilespmem:s31+$0x8904];
	v10 =	vadd.f32 v11, v10  }
0xc0: {  	v11 =	vld [tilespmem:s31+$0xAE45];
	v9 =	vadd.f32 v12, v9  }
0xc1: {  	v12 =	vld [tilespmem:s31+$0x8945];
	v10 =	vadd.f32 v15, v10  }
0xc2: {  	v15 =	vld [tilespmem:s31+$0xAE86];
	v9 =	vadd.f32 v16, v9  }
0xc3: {  	v16 =	vld [tilespmem:s31+$0x8986];
	v10 =	vadd.f32 v14, v10  }
0xc4: {  	v14 =	vld [tilespmem:s31+$0xAEC7];
	v9 =	vadd.f32 v13, v9  }
0xc5: {  	v13 =	vld [tilespmem:s31+$0x89C7];
	v10 =	vadd.f32 v11, v10  }
0xc6: {  	v11 =	vld [tilespmem:s31+$0xAF08];
	v9 =	vadd.f32 v12, v9  }
0xc7: {  	v12 =	vld [tilespmem:s31+$0x8A08];
	v10 =	vadd.f32 v15, v10  }
0xc8: {  	v15 =	vld [tilespmem:s31+$0xAF49];
	v9 =	vadd.f32 v16, v9  }
0xc9: {  	v16 =	vld [tilespmem:s31+$0x8A49];
	v10 =	vadd.f32 v14, v10  }
0xca: {  	v14 =	vld [tilespmem:s31+$0xAF8A];
	v9 =	vadd.f32 v13, v9  }
0xcb: {  	v13 =	vld [tilespmem:s31+$0x8A8A];
	v10 =	vadd.f32 v11, v10  }
0xcc: {  	v11 =	vld [tilespmem:s31+$0xAFCB];
	v9 =	vadd.f32 v12, v9  }
0xcd: {  	v12 =	vld [tilespmem:s31+$0x8ACB];
	v10 =	vadd.f32 v15, v10  }
0xce: {  	v15 =	vld [tilespmem:s31+$0xB00C];
	v9 =	vadd.f32 v16, v9  }
0xcf: {  	v16 =	vld [tilespmem:s31+$0x8B0C];
	v10 =	vadd.f32 v14, v10  }
0xd0: {  	v14 =	vld [tilespmem:s31+$0xB04D];
	v9 =	vadd.f32 v13, v9  }
0xd1: {  	v13 =	vld [tilespmem:s31+$0x8B4D];
	v10 =	vadd.f32 v11, v10  }
0xd2: {  	v11 =	vld [tilespmem:s31+$0xB08E];
	v9 =	vadd.f32 v12, v9  }
0xd3: {  	v12 =	vld [tilespmem:s31+$0x8B8E];
	v10 =	vadd.f32 v15, v10  }
0xd4: {  	v15 =	vld [tilespmem:s31+$0xB0CF];
	v9 =	vadd.f32 v16, v9  }
0xd5: {  	v16 =	vld [tilespmem:s31+$0x8BCF];
	v10 =	vadd.f32 v14, v10;
	s31 =	smov.u32 s24  }
0xd6: {  	v9 =	vadd.f32 v13, v9  }
0xd7: {  	v10 =	vadd.f32 v11, v10  }
0xd8: {  	s24 =	sshll.u32 s0, $0x5;
	s0 =	smov.u32 s28;
	s28 =	smov.u32 s3;
	v9 =	vadd.f32 v12, v9  }
0xd9: {  	s3 =	sand.u32 $0x3FFFFF80, s24;
	v10 =	vadd.f32 v15, v10  }
0xda: {  	s3 =	sor.u32 s30, s3;
	s30 =	smov.u32 s16;
	v9 =	vadd.f32 v16, v9  }
0xdb: {  	[tilespmem:s3+$0xD600] =	vst v10  }
0xdc: {  	[tilespmem:s3+$0xD200] =	vst v9  }
0xdd: {  	v10 =	vld [tilespmem:s31+$0xAD41]  }
.Ltmp6:
0xde: {  	v9 =	vld [tilespmem:s31+$0x8841];
	(pc) =	sbr.rel @p0 .LBB2_14-.Ltmp6, $4  }
0xdf: {  	v14 =	vld [tilespmem:s31+$0xAD00]  }
0xe0: {  	v13 =	vld [tilespmem:s31+$0x8800]  }
0xe1: {  	v11 =	vld [tilespmem:s31+$0xAD82]  }
0xe2: {  	s16 =	smov.u32 s1;
	v12 =	vld [tilespmem:s31+$0x8882]  }
0xe3: {  	v15 =	vld [tilespmem:s31+$0xADC3]  }
0xe4: {  	v16 =	vld [tilespmem:s31+$0x88C3];
	v10 =	vadd.f32 v10, v14  }
0xe5: {  	v63 =	vld [tilespmem:s31+$0xAE04];
	v9 =	vadd.f32 v9, v13  }
0xe6: {  	v20 =	vld [tilespmem:s31+$0x8904];
	v10 =	vadd.f32 v11, v10  }
0xe7: {  	v11 =	vld [tilespmem:s31+$0xAE45];
	v9 =	vadd.f32 v12, v9  }
0xe8: {  	v21 =	vld [tilespmem:s31+$0x8945];
	v10 =	vadd.f32 v15, v10  }
0xe9: {  	v22 =	vld [tilespmem:s31+$0xAE86];
	v9 =	vadd.f32 v16, v9  }
0xea: {  	v23 =	vld [tilespmem:s31+$0x8986];
	v10 =	vadd.f32 v63, v10  }
0xeb: {  	v24 =	vld [tilespmem:s31+$0xAEC7];
	v9 =	vadd.f32 v20, v9  }
0xec: {  	v25 =	vld [tilespmem:s31+$0x89C7];
	v10 =	vadd.f32 v11, v10  }
0xed: {  	v11 =	vld [tilespmem:s31+$0xAF08];
	v9 =	vadd.f32 v21, v9  }
0xee: {  	v26 =	vld [tilespmem:s31+$0x8A08];
	v10 =	vadd.f32 v22, v10  }
0xef: {  	v27 =	vld [tilespmem:s31+$0xAF49];
	v9 =	vadd.f32 v23, v9  }
0xf0: {  	v28 =	vld [tilespmem:s31+$0x8A49];
	v10 =	vadd.f32 v24, v10  }
0xf1: {  	v29 =	vld [tilespmem:s31+$0xAF8A];
	v9 =	vadd.f32 v25, v9  }
0xf2: {  	v30 =	vld [tilespmem:s31+$0x8A8A];
	v10 =	vadd.f32 v11, v10  }
0xf3: {  	v11 =	vld [tilespmem:s31+$0xAFCB];
	v9 =	vadd.f32 v26, v9  }
0xf4: {  	v31 =	vld [tilespmem:s31+$0x8ACB];
	v10 =	vadd.f32 v27, v10  }
0xf5: {  	v32 =	vld [tilespmem:s31+$0xB00C];
	v9 =	vadd.f32 v28, v9  }
0xf6: {  	v33 =	vld [tilespmem:s31+$0x8B0C];
	v10 =	vadd.f32 v29, v10  }
0xf7: {  	v34 =	vld [tilespmem:s31+$0xB04D];
	v9 =	vadd.f32 v30, v9  }
0xf8: {  	v35 =	vld [tilespmem:s31+$0x8B4D];
	v10 =	vadd.f32 v11, v10  }
0xf9: {  	v11 =	vld [tilespmem:s31+$0xB08E];
	v9 =	vadd.f32 v31, v9  }
0xfa: {  	v36 =	vld [tilespmem:s31+$0x8B8E];
	v10 =	vadd.f32 v32, v10  }
0xfb: {  	v37 =	vld [tilespmem:s31+$0xB0CF];
	v9 =	vadd.f32 v33, v9  }
0xfc: {  	v38 =	vld [tilespmem:s31+$0x8BCF];
	v10 =	vadd.f32 v34, v10  }
0xfd: {  	v9 =	vadd.f32 v35, v9  }
0xfe: {  	v10 =	vadd.f32 v11, v10  }
0xff: {  	s0 =	sshll.u32 s0, $0x5;
	v9 =	vadd.f32 v36, v9  }
0x100: {  	s1 =	sshrl.u32 s28, $0x2;
	s0 =	sand.u32 $0x3FFFFF80, s0;
	v10 =	vadd.f32 v37, v10  }
0x101: {  	s3 =	sadd.s32 $0x10, s29;
	s1 =	smul.u32 $0x410, s1;
	s16 =	sor.u32 s30, s0;
	v9 =	vadd.f32 v38, v9  }
0x102: {  	s24 =	sand.u32 $0x30, s3;
	[tilespmem:s16+$0xD600] =	vst v10  }
0x103: {  	s1 =	sadd.s32 s24, s1;
	[tilespmem:s16+$0xD200] =	vst v9  }
0x104: {  	v9 =	vld [tilespmem:s1+$0xAD41]  }
0x105: {  	v10 =	vld [tilespmem:s1+$0x8841]  }
0x106: {  	v11 =	vld [tilespmem:s1+$0xAD00]  }
0x107: {  	v39 =	vld [tilespmem:s1+$0x8800]  }
0x108: {  	v40 =	vld [tilespmem:s1+$0xAD82]  }
0x109: {  	v41 =	vld [tilespmem:s1+$0x8882]  }
0x10a: {  	v42 =	vld [tilespmem:s1+$0xADC3]  }
0x10b: {  	v43 =	vld [tilespmem:s1+$0x88C3];
	v9 =	vadd.f32 v9, v11  }
0x10c: {  	v11 =	vld [tilespmem:s1+$0xAE04];
	v10 =	vadd.f32 v10, v39  }
0x10d: {  	v44 =	vld [tilespmem:s1+$0x8904];
	v9 =	vadd.f32 v40, v9  }
0x10e: {  	v45 =	vld [tilespmem:s1+$0xAE45];
	v10 =	vadd.f32 v41, v10  }
0x10f: {  	v46 =	vld [tilespmem:s1+$0x8945];
	v9 =	vadd.f32 v42, v9  }
0x110: {  	v47 =	vld [tilespmem:s1+$0xAE86];
	v10 =	vadd.f32 v43, v10  }
0x111: {  	v48 =	vld [tilespmem:s1+$0x8986];
	v9 =	vadd.f32 v11, v9  }
0x112: {  	v11 =	vld [tilespmem:s1+$0xAEC7];
	v10 =	vadd.f32 v44, v10  }
0x113: {  	v49 =	vld [tilespmem:s1+$0x89C7];
	v9 =	vadd.f32 v45, v9  }
0x114: {  	v50 =	vld [tilespmem:s1+$0xAF08];
	v10 =	vadd.f32 v46, v10  }
0x115: {  	v51 =	vld [tilespmem:s1+$0x8A08];
	v9 =	vadd.f32 v47, v9  }
0x116: {  	v52 =	vld [tilespmem:s1+$0xAF49];
	v10 =	vadd.f32 v48, v10  }
0x117: {  	v53 =	vld [tilespmem:s1+$0x8A49];
	v9 =	vadd.f32 v11, v9  }
0x118: {  	v11 =	vld [tilespmem:s1+$0xAF8A];
	v10 =	vadd.f32 v49, v10  }
0x119: {  	v54 =	vld [tilespmem:s1+$0x8A8A];
	v9 =	vadd.f32 v50, v9  }
0x11a: {  	v55 =	vld [tilespmem:s1+$0xAFCB];
	v10 =	vadd.f32 v51, v10  }
0x11b: {  	v56 =	vld [tilespmem:s1+$0x8ACB];
	v9 =	vadd.f32 v52, v9  }
0x11c: {  	v57 =	vld [tilespmem:s1+$0xB00C];
	v10 =	vadd.f32 v53, v10  }
0x11d: {  	v58 =	vld [tilespmem:s1+$0x8B0C];
	v9 =	vadd.f32 v11, v9  }
0x11e: {  	v11 =	vld [tilespmem:s1+$0xB04D];
	v10 =	vadd.f32 v54, v10  }
0x11f: {  	v59 =	vld [tilespmem:s1+$0x8B4D];
	v9 =	vadd.f32 v55, v9  }
0x120: {  	v60 =	vld [tilespmem:s1+$0xB08E];
	v10 =	vadd.f32 v56, v10  }
0x121: {  	v61 =	vld [tilespmem:s1+$0x8B8E];
	v9 =	vadd.f32 v57, v9  }
0x122: {  	v62 =	vld [tilespmem:s1+$0xB0CF];
	v10 =	vadd.f32 v58, v10  }
0x123: {  	v63 =	vld [tilespmem:s1+$0x8BCF];
	v9 =	vadd.f32 v11, v9  }
0x124: {  	v10 =	vadd.f32 v59, v10  }
0x125: {  	v9 =	vadd.f32 v60, v9  }
0x126: {  	s29 =	sshll.u32 s28, $0x5;
	v10 =	vadd.f32 v61, v10  }
0x127: {  	s1 =	sand.u32 $0x3FFFFF80, s29;
	v9 =	vadd.f32 v62, v9  }
0x128: {  	s26 =	sadd.s32 $0x1, s26;
	s0 =	sor.u32 s24, s1;
	v10 =	vadd.f32 v63, v10  }
0x129: {  	p0 =	sne.s32 s26, s13;
	[tilespmem:s0+$0xD600] =	vst v9  }
.Ltmp7:
0x12a: {  	s30 =	simm.s32 $0x0;
	s31 =	simm.s32 $0xD200;
	[tilespmem:s0+$0xD200] =	vst v10;
	(pc) =	sbr.rel @p0 .LBB2_1-.Ltmp7, $4  }
0x12b: {  	[hbm4b:s12+s30] =	stream.linear.scatter [tilespmem:s31], [sflag:$0x3], $0x800, $0x38;
	[tilespmem:$0xDA00] =	vst v63  }
0x12c: {  	_ =	swait.ge [sflag:s25], $0x800  }
0x12d: {  	[sflag:s25] =	ssyncset.done $0x0  }
0x12e: {  	[sflag:s25] =	ssyncadd.s32 $0xFFFFF800  }
0x12f: {  	_ =	sfence.sel $0x180000  }
0x130: {  	[bflag:$0x0] =	sbarrier.arrive $0xFFFF  }
0x131: {  	_ =	strace $0x90000047  }
0x132: {  	s0 =	stileid.u32;
	[bflag:$0x2] =	sbarrier.arrive $0xFFFF  }
0x133: {  	p0 =	sne.s32 s0, $0x0;
	s0 =	rddreg [dreg:$0x2]  }
0x134: {  	s0 =	sadd.s32 @!p0 $0x100000, s0  }
0x135: {  	[sflag:s0] =	ssyncadd.tile.s32 @!p0 $0x1;
	_ =	shalt  }
.Lfunc_end2:
_tile_overlayer_lowered:
.L_overlay_start_2:
0x136: {  	(tag) =	ssettag $0x2  }
0x137: {  	s0 =	rddreg [dreg:$0x0];
	s2 =	stileid.u32  }
0x138: {  	s1 =	rddreg [dreg:$0x1];
	p0 =	sne.s32 s2, $0x0  }
0x139: {  	s3 =	rddreg [dreg:$0x2];
	[bflag:$0x3] =	sbarrier.arrive $0xFFFF;
	s2 =	simm.s32 @!p0 $0x1C03  }
0x13a: {  	[timem:s3], [sflag:s2] =	dma.local @!p0 [hbm:s0], s1  }
0x13b: {  	s0 =	simm.s32 @!p0 $0x3  }
0x13c: {  	_ =	swait.ge @!p0 [sflag:s0], s1  }
0x13d: {  	s1 =	ssub.s32 @!p0 $0x0, s1;
	[sflag:s0] =	ssyncset.done @!p0 $0x0  }
0x13e: {  	[sflag:s0] =	ssyncadd.s32 @!p0 s1  }
0x13f: {  	[bflag:$0x3] =	sbarrier.arrive $0xFFFF  }
0x140: {  	_ =	shalt  }

</sc_bundles>
